<compile_context>
chip_gen: v7x
topology: tpu7x:2x2x1
jax: 0.10.2.dev20260603
libtpu: 0.0.44.dev20260713+nightly
codegen_flags: <defaults>
</compile_context>

<pallas_src>
import jax
import jax.numpy as jnp
from jax import lax
from jax.experimental import pallas as pl
from jax.experimental.pallas import tpu as pltpu
from jax.experimental.pallas import tpu_sc as plsc

N_NODE = 10000
N_EDGE = 320000
D = 128

_SC_INFO = plsc.get_sparse_core_info()
NUM_CORES = _SC_INFO.num_cores
NUM_SUBCORES = _SC_INFO.num_subcores

EDGES_PER_TILE = N_EDGE // NUM_SUBCORES
CHUNK = 125
CHUNKS_PER_SUPER = 16
EDGES_PER_SUPER = CHUNK * CHUNKS_PER_SUPER
N_SUPER = EDGES_PER_TILE // EDGES_PER_SUPER

ROWS_PER_WB = 624
WB_TAIL = N_NODE - NUM_SUBCORES * ROWS_PER_WB

DEG_CHUNK = 2000


def _sc_body(x_user, x_item, er0, er1, zeros_hbm,
             agg_item, deg_item, agg_user, deg_user,
             acc_sh, deg_sh, sidx, didx, rows, ones_v, zdeg,
             semg0, semg1, sems0, sems1, semi):
  core = lax.axis_index("c")
  sid = lax.axis_index("s")
  semg = (semg0, semg1)
  sems = (sems0, sems1)

  def fire_prefetch(er_hbm, s, bank):
    sup = sid * N_SUPER + s
    pltpu.async_copy(er_hbm.at[0, sup], sidx.at[bank], semi)
    pltpu.async_copy(er_hbm.at[1, sup], didx.at[bank], semi)

  def wait_prefetch(er_hbm, bank):
    pltpu.make_async_copy(er_hbm.at[0, 0], sidx.at[bank], semi).wait()
    pltpu.make_async_copy(er_hbm.at[1, 0], didx.at[bank], semi).wait()

  @pl.when(core == 0)
  def _():
    fire_prefetch(er0, 0, 0)

  @pl.when(core == 1)
  def _():
    fire_prefetch(er1, 0, 0)

  zvec = jnp.zeros((16,), jnp.float32)

  @pl.loop(0, DEG_CHUNK // 16)
  def _(i):
    zdeg[pl.ds(i * 16, 16)] = zvec

  for j in range(8):
    ones_v[pl.ds(j * 16, 16)] = jnp.ones((16,), jnp.float32)

  pltpu.sync_copy(zeros_hbm.at[pl.ds(0, ROWS_PER_WB)],
                  acc_sh.at[pl.ds(sid * ROWS_PER_WB, ROWS_PER_WB)])

  @pl.when(sid == 0)
  def _():
    pltpu.sync_copy(zeros_hbm.at[pl.ds(0, WB_TAIL)],
                    acc_sh.at[pl.ds(NUM_SUBCORES * ROWS_PER_WB, WB_TAIL)])

  @pl.when(sid < N_NODE // DEG_CHUNK)
  def _():
    pltpu.sync_copy(zdeg, deg_sh.at[pl.ds(sid * DEG_CHUNK, DEG_CHUNK)])

  plsc.subcore_barrier()

  def run_relation(x_hbm, er_hbm):
    def fire_gather(bank, ib, j):
      return pltpu.async_copy(x_hbm.at[sidx.at[ib, j]], rows.at[bank],
                              semg[bank])

    def fire_scatter(bank, ib, j):
      pltpu.async_copy(rows.at[bank], acc_sh.at[didx.at[ib, j]], sems[bank],
                       add=True)
      pltpu.async_copy(ones_v.at[pl.ds(0, CHUNK)], deg_sh.at[didx.at[ib, j]],
                       sems[bank], add=True)

    def drain_scatter(bank):
      pltpu.make_async_copy(rows.at[bank], acc_sh.at[didx.at[0, 0]],
                            sems[bank]).wait()
      pltpu.make_async_copy(ones_v.at[pl.ds(0, CHUNK)],
                            deg_sh.at[didx.at[0, 0]], sems[bank]).wait()

    @pl.loop(0, N_SUPER)
    def _(s):
      ib = lax.rem(s, 2)

      @pl.when(s > 0)
      def _():
        drain_scatter(0)
        drain_scatter(1)

      wait_prefetch(er_hbm, ib)

      @pl.when(s < N_SUPER - 1)
      def _():
        fire_prefetch(er_hbm, s + 1, 1 - ib)

      @pl.loop(0, CHUNKS_PER_SUPER // 2)
      def _(g):
        @pl.when(g > 0)
        def _():
          drain_scatter(0)
          drain_scatter(1)

        ga = fire_gather(0, ib, 2 * g)
        gb = fire_gather(1, ib, 2 * g + 1)
        ga.wait()
        fire_scatter(0, ib, 2 * g)
        gb.wait()
        fire_scatter(1, ib, 2 * g + 1)

    drain_scatter(0)
    drain_scatter(1)

  @pl.when(core == 0)
  def _():
    run_relation(x_user, er0)

  @pl.when(core == 1)
  def _():
    run_relation(x_item, er1)

  plsc.subcore_barrier()

  def writeback(agg_out, deg_out):
    pltpu.sync_copy(acc_sh.at[pl.ds(sid * ROWS_PER_WB, ROWS_PER_WB)],
                    agg_out.at[pl.ds(sid * ROWS_PER_WB, ROWS_PER_WB)])

    @pl.when(sid == 0)
    def _():
      pltpu.sync_copy(acc_sh.at[pl.ds(NUM_SUBCORES * ROWS_PER_WB, WB_TAIL)],
                      agg_out.at[pl.ds(NUM_SUBCORES * ROWS_PER_WB, WB_TAIL)])

    @pl.when(sid < N_NODE // DEG_CHUNK)
    def _():
      pltpu.sync_copy(deg_sh.at[pl.ds(sid * DEG_CHUNK, DEG_CHUNK)], zdeg)
      pltpu.sync_copy(zdeg, deg_out.at[pl.ds(sid * DEG_CHUNK, DEG_CHUNK)])

  @pl.when(core == 0)
  def _():
    writeback(agg_item, deg_item)

  @pl.when(core == 1)
  def _():
    writeback(agg_user, deg_user)


_sc_aggregate = pl.kernel(
    _sc_body,
    out_type=(
        jax.ShapeDtypeStruct((N_NODE, D), jnp.float32),
        jax.ShapeDtypeStruct((N_NODE,), jnp.float32),
        jax.ShapeDtypeStruct((N_NODE, D), jnp.float32),
        jax.ShapeDtypeStruct((N_NODE,), jnp.float32),
    ),
    mesh=plsc.VectorSubcoreMesh(core_axis_name="c", subcore_axis_name="s"),
    scratch_types=[
        pltpu.VMEM_SHARED((N_NODE, D), jnp.float32),
        pltpu.VMEM_SHARED((N_NODE,), jnp.float32),
        pltpu.VMEM((2, CHUNKS_PER_SUPER, CHUNK), jnp.int32),
        pltpu.VMEM((2, CHUNKS_PER_SUPER, CHUNK), jnp.int32),
        pltpu.VMEM((2, CHUNK, D), jnp.float32),
        pltpu.VMEM((128,), jnp.float32),
        pltpu.VMEM((DEG_CHUNK,), jnp.float32),
        pltpu.SemaphoreType.DMA,
        pltpu.SemaphoreType.DMA,
        pltpu.SemaphoreType.DMA,
        pltpu.SemaphoreType.DMA,
        pltpu.SemaphoreType.DMA,
    ],
)


ROW_BLK = 1000


def _tc_body(agg_i, deg_i, W0, b0, agg_u, deg_u, W1, b1, out_i, out_u):
  hi = jnp.dot(agg_i[...], W0[...], preferred_element_type=jnp.float32,
               precision=lax.Precision.HIGHEST)
  out_i[...] = jnp.maximum(hi + deg_i[...] * b0[...], 0.0)
  hu = jnp.dot(agg_u[...], W1[...], preferred_element_type=jnp.float32,
               precision=lax.Precision.HIGHEST)
  out_u[...] = jnp.maximum(hu + deg_u[...] * b1[...], 0.0)


_tc_epilogue = pl.pallas_call(
    _tc_body,
    grid=(N_NODE // ROW_BLK,),
    in_specs=[
        pl.BlockSpec((ROW_BLK, D), lambda i: (i, 0)),
        pl.BlockSpec((ROW_BLK, 1), lambda i: (i, 0)),
        pl.BlockSpec((D, D), lambda i: (0, 0)),
        pl.BlockSpec((1, D), lambda i: (0, 0)),
        pl.BlockSpec((ROW_BLK, D), lambda i: (i, 0)),
        pl.BlockSpec((ROW_BLK, 1), lambda i: (i, 0)),
        pl.BlockSpec((D, D), lambda i: (0, 0)),
        pl.BlockSpec((1, D), lambda i: (0, 0)),
    ],
    out_specs=[
        pl.BlockSpec((ROW_BLK, D), lambda i: (i, 0)),
        pl.BlockSpec((ROW_BLK, D), lambda i: (i, 0)),
    ],
    out_shape=[
        jax.ShapeDtypeStruct((N_NODE, D), jnp.float32),
        jax.ShapeDtypeStruct((N_NODE, D), jnp.float32),
    ],
)


def kernel(x_user, x_item, W_rel0, b_rel0, W_rel1, b_rel1,
           edge_index_rel0, edge_index_rel1):
  er_shape = (2, N_EDGE // EDGES_PER_SUPER, CHUNKS_PER_SUPER, CHUNK)
  er0 = edge_index_rel0.astype(jnp.int32).reshape(er_shape)
  er1 = edge_index_rel1.astype(jnp.int32).reshape(er_shape)

  zeros_hbm = jnp.zeros((ROWS_PER_WB, D), jnp.float32)
  agg_item, deg_item, agg_user, deg_user = _sc_aggregate(
      x_user, x_item, er0, er1, zeros_hbm)

  h_item, h_user = _tc_epilogue(
      agg_item, deg_item.reshape(N_NODE, 1), W_rel0, b_rel0.reshape(1, D),
      agg_user, deg_user.reshape(N_NODE, 1), W_rel1, b_rel1.reshape(1, D))
  return (h_user, h_item)

# --- scband reference (transcript-rebuilt; emitter-appended) ---
"""Pipeline reference for scband-hetero-relational-graph-conv-26577257628122 (READ-ONLY COPY).

The authoritative reference and input builder live on the scoring server;
editing this copy changes nothing except your own understanding.
"""

import jax, jax.numpy as jnp
import numpy as np

N_USER = 10000
N_ITEM = 10000
E = 320000
D_IN = 128
D_OUT = 128


def setup_inputs(seed: int = 0) -> dict:
    key = jax.random.key(seed)
    ks = jax.random.split(key, 8)
    x_user = jax.random.normal(ks[0], (N_USER, D_IN), dtype=jnp.float32)
    x_item = jax.random.normal(ks[1], (N_ITEM, D_IN), dtype=jnp.float32)
    # rel0: user -> item ; rel1: item -> user
    edge_index_rel0 = jax.random.randint(ks[2], (2, E), 0, N_USER, dtype=jnp.int64)
    edge_index_rel1 = jax.random.randint(ks[3], (2, E), 0, N_ITEM, dtype=jnp.int64)
    scale = 1.0 / np.sqrt(D_IN)
    W_rel0 = jax.random.uniform(ks[4], (D_IN, D_OUT), minval=-scale, maxval=scale, dtype=jnp.float32)
    b_rel0 = jax.random.uniform(ks[5], (D_OUT,), minval=-scale, maxval=scale, dtype=jnp.float32)
    W_rel1 = jax.random.uniform(ks[6], (D_IN, D_OUT), minval=-scale, maxval=scale, dtype=jnp.float32)
    b_rel1 = jax.random.uniform(ks[7], (D_OUT,), minval=-scale, maxval=scale, dtype=jnp.float32)
    return {
        "x_user": x_user,
        "x_item": x_item,
        "W_rel0": W_rel0,
        "b_rel0": b_rel0,
        "W_rel1": W_rel1,
        "b_rel1": b_rel1,
        "edge_index_rel0": edge_index_rel0,
        "edge_index_rel1": edge_index_rel1,
    }


def reference(x_user, x_item, W_rel0, b_rel0, W_rel1, b_rel1, edge_index_rel0, edge_index_rel1):
    # Relation rel0: (user, rel0, item). A[rel].T @ Linear(x_src):
    # A is [N_src, N_dst] with A[s, d] = 1 for each edge, so (A.T @ H)[d] = sum over
    # incoming edges of H[src] -> gather of transformed src feats + scatter-add to dst.
    h_src0 = x_user @ W_rel0 + b_rel0
    msg0 = jnp.take(h_src0, edge_index_rel0[0], axis=0)
    h_item = jax.ops.segment_sum(msg0, edge_index_rel0[1], num_segments=N_ITEM)
    h_item = jax.nn.relu(h_item)

    # Relation rel1: (item, rel1, user)
    h_src1 = x_item @ W_rel1 + b_rel1
    msg1 = jnp.take(h_src1, edge_index_rel1[0], axis=0)
    h_user = jax.ops.segment_sum(msg1, edge_index_rel1[1], num_segments=N_USER)
    h_user = jax.nn.relu(h_user)

    return (h_user, h_item)

if __name__ == "__main__":
    import jax
    _d = setup_inputs()
    print(jax.jit(kernel)(*tuple(_d.values())))

</pallas_src>

<mosaic_0001>
#map = affine_map<(d0, d1) -> (0, 0)>
#map1 = affine_map<(d0, d1) -> (0, 0, 0, 0)>
#map2 = affine_map<(d0, d1) -> (0)>
module attributes {stable_mosaic.version = 14 : i64} {
  func.func @_sc_body(%arg0: i32, %arg1: i32, %arg2: memref<10000x128xf32, #tpu.memory_space<hbm>>, %arg3: memref<10000x128xf32, #tpu.memory_space<hbm>>, %arg4: memref<2x160x16x125xi32, #tpu.memory_space<hbm>>, %arg5: memref<2x160x16x125xi32, #tpu.memory_space<hbm>>, %arg6: memref<624x128xf32, #tpu.memory_space<hbm>>, %arg7: memref<10000x128xf32, #tpu.memory_space<hbm>>, %arg8: memref<10000xf32, #tpu.memory_space<hbm>>, %arg9: memref<10000x128xf32, #tpu.memory_space<hbm>>, %arg10: memref<10000xf32, #tpu.memory_space<hbm>>, %arg11: memref<10000x128xf32, #tpu.memory_space<vmem_shared>>, %arg12: memref<10000xf32, #tpu.memory_space<vmem_shared>>, %arg13: memref<2x16x125xi32, #tpu.memory_space<vmem>>, %arg14: memref<2x16x125xi32, #tpu.memory_space<vmem>>, %arg15: memref<2x125x128xf32, #tpu.memory_space<vmem>>, %arg16: memref<128xf32, #tpu.memory_space<vmem>>, %arg17: memref<2000xf32, #tpu.memory_space<vmem>>, %arg18: memref<!tpu.dma_semaphore, #tpu.memory_space<semaphore_mem>>, %arg19: memref<!tpu.dma_semaphore, #tpu.memory_space<semaphore_mem>>, %arg20: memref<!tpu.dma_semaphore, #tpu.memory_space<semaphore_mem>>, %arg21: memref<!tpu.dma_semaphore, #tpu.memory_space<semaphore_mem>>, %arg22: memref<!tpu.dma_semaphore, #tpu.memory_space<semaphore_mem>>) attributes {dimension_semantics = [#tpu.dimension_semantics<core_parallel>, #tpu.dimension_semantics<subcore_parallel>], iteration_bounds = array<i64: 2, 16>, scalar_prefetch = 0 : i64, scratch_operands = 12 : i64, tpu.core_type = #tpu.core_type<sc_vector_subcore>, window_params = [{transform_indices = #map}, {transform_indices = #map}, {transform_indices = #map1}, {transform_indices = #map1}, {transform_indices = #map}, {transform_indices = #map}, {transform_indices = #map2}, {transform_indices = #map}, {transform_indices = #map2}]} {
    %eq3A = arith.constant 0 : i32
    %eq3A_0 = arith.cmpi eq, %arg0, %eq3A : i32
    %convert_element_type3A = arith.extui %eq3A_0 : i1 to i32
    %cond3A = arith.constant 0 : i32
    %cond3A_1 = arith.cmpi ne, %convert_element_type3A, %cond3A : i32
    scf.if %cond3A_1 {
      %mul3A_90 = arith.constant 10 : i32
      %mul3A_91 = arith.muli %arg1, %mul3A_90 : i32
      %add3A = arith.constant 0 : i32
      %add3A_92 = arith.addi %mul3A_91, %add3A : i32
      %dma_start3A = arith.constant 0 : i32
      %dma_start3A_93 = arith.constant 0 : i32
      %dma_start3A_94 = arith.constant 0 : i32
      %dma_start3A_95 = arith.constant 0 : i32
      %dma_start3A_96 = tpu.memref_slice %arg13[%dma_start3A_93, %dma_start3A_94, %dma_start3A_95] : memref<2x16x125xi32, #tpu.memory_space<vmem>> -> memref<1x16x125xi32, #tpu.memory_space<vmem>>
      %dma_start3A_97 = tpu.memref_squeeze %dma_start3A_96 : memref<1x16x125xi32, #tpu.memory_space<vmem>> -> memref<16x125xi32, #tpu.memory_space<vmem>>
      %dma_start3A_98 = arith.constant 0 : i32
      %dma_start3A_99 = arith.constant 0 : i32
      %dma_start3A_100 = tpu.memref_slice %arg4[%dma_start3A, %add3A_92, %dma_start3A_98, %dma_start3A_99] : memref<2x160x16x125xi32, #tpu.memory_space<hbm>> -> memref<1x1x16x125xi32, #tpu.memory_space<hbm>>
      %dma_start3A_101 = tpu.memref_squeeze %dma_start3A_100 : memref<1x1x16x125xi32, #tpu.memory_space<hbm>> -> memref<16x125xi32, #tpu.memory_space<hbm>>
      %dma_start3A_102 = arith.constant 0 : i32
      %dma_start3A_103 = arith.constant 0 : i32
      %dma_start3A_104 = tpu.memref_slice %arg13[%dma_start3A_93, %dma_start3A_102, %dma_start3A_103] : memref<2x16x125xi32, #tpu.memory_space<vmem>> -> memref<1x16x125xi32, #tpu.memory_space<vmem>>
      %dma_start3A_105 = tpu.memref_squeeze %dma_start3A_104 : memref<1x16x125xi32, #tpu.memory_space<vmem>> -> memref<16x125xi32, #tpu.memory_space<vmem>>
      %dma_start3A_106 = arith.constant 0 : i32
      %dma_start3A_107 = arith.constant 0 : i32
      %dma_start3A_108 = tpu.memref_slice %arg4[%dma_start3A, %add3A_92, %dma_start3A_106, %dma_start3A_107] : memref<2x160x16x125xi32, #tpu.memory_space<hbm>> -> memref<1x1x16x125xi32, #tpu.memory_space<hbm>>
      %dma_start3A_109 = tpu.memref_squeeze %dma_start3A_108 : memref<1x1x16x125xi32, #tpu.memory_space<hbm>> -> memref<16x125xi32, #tpu.memory_space<hbm>>
      tpu.enqueue_dma source(%dma_start3A_109 : memref<16x125xi32, #tpu.memory_space<hbm>>) target(%dma_start3A_105 : memref<16x125xi32, #tpu.memory_space<vmem>>) target_semaphore(%arg22 : memref<!tpu.dma_semaphore, #tpu.memory_space<semaphore_mem>>)
      %dma_start3A_110 = arith.constant 1 : i32
      %dma_start3A_111 = arith.constant 0 : i32
      %dma_start3A_112 = arith.constant 0 : i32
      %dma_start3A_113 = arith.constant 0 : i32
      %dma_start3A_114 = tpu.memref_slice %arg14[%dma_start3A_111, %dma_start3A_112, %dma_start3A_113] : memref<2x16x125xi32, #tpu.memory_space<vmem>> -> memref<1x16x125xi32, #tpu.memory_space<vmem>>
      %dma_start3A_115 = tpu.memref_squeeze %dma_start3A_114 : memref<1x16x125xi32, #tpu.memory_space<vmem>> -> memref<16x125xi32, #tpu.memory_space<vmem>>
      %dma_start3A_116 = arith.constant 0 : i32
      %dma_start3A_117 = arith.constant 0 : i32
      %dma_start3A_118 = tpu.memref_slice %arg4[%dma_start3A_110, %add3A_92, %dma_start3A_116, %dma_start3A_117] : memref<2x160x16x125xi32, #tpu.memory_space<hbm>> -> memref<1x1x16x125xi32, #tpu.memory_space<hbm>>
      %dma_start3A_119 = tpu.memref_squeeze %dma_start3A_118 : memref<1x1x16x125xi32, #tpu.memory_space<hbm>> -> memref<16x125xi32, #tpu.memory_space<hbm>>
      %dma_start3A_120 = arith.constant 0 : i32
      %dma_start3A_121 = arith.constant 0 : i32
      %dma_start3A_122 = tpu.memref_slice %arg14[%dma_start3A_111, %dma_start3A_120, %dma_start3A_121] : memref<2x16x125xi32, #tpu.memory_space<vmem>> -> memref<1x16x125xi32, #tpu.memory_space<vmem>>
      %dma_start3A_123 = tpu.memref_squeeze %dma_start3A_122 : memref<1x16x125xi32, #tpu.memory_space<vmem>> -> memref<16x125xi32, #tpu.memory_space<vmem>>
      %dma_start3A_124 = arith.constant 0 : i32
      %dma_start3A_125 = arith.constant 0 : i32
      %dma_start3A_126 = tpu.memref_slice %arg4[%dma_start3A_110, %add3A_92, %dma_start3A_124, %dma_start3A_125] : memref<2x160x16x125xi32, #tpu.memory_space<hbm>> -> memref<1x1x16x125xi32, #tpu.memory_space<hbm>>
      %dma_start3A_127 = tpu.memref_squeeze %dma_start3A_126 : memref<1x1x16x125xi32, #tpu.memory_space<hbm>> -> memref<16x125xi32, #tpu.memory_space<hbm>>
      tpu.enqueue_dma source(%dma_start3A_127 : memref<16x125xi32, #tpu.memory_space<hbm>>) target(%dma_start3A_123 : memref<16x125xi32, #tpu.memory_space<vmem>>) target_semaphore(%arg22 : memref<!tpu.dma_semaphore, #tpu.memory_space<semaphore_mem>>)
    } else {
    }
    %eq3A_2 = arith.constant 1 : i32
    %eq3A_3 = arith.cmpi eq, %arg0, %eq3A_2 : i32
    %convert_element_type3A_4 = arith.extui %eq3A_3 : i1 to i32
    %cond3A_5 = arith.constant 0 : i32
    %cond3A_6 = arith.cmpi ne, %convert_element_type3A_4, %cond3A_5 : i32
    scf.if %cond3A_6 {
      %mul3A_90 = arith.constant 10 : i32
      %mul3A_91 = arith.muli %arg1, %mul3A_90 : i32
      %add3A = arith.constant 0 : i32
      %add3A_92 = arith.addi %mul3A_91, %add3A : i32
      %dma_start3A = arith.constant 0 : i32
      %dma_start3A_93 = arith.constant 0 : i32
      %dma_start3A_94 = arith.constant 0 : i32
      %dma_start3A_95 = arith.constant 0 : i32
      %dma_start3A_96 = tpu.memref_slice %arg13[%dma_start3A_93, %dma_start3A_94, %dma_start3A_95] : memref<2x16x125xi32, #tpu.memory_space<vmem>> -> memref<1x16x125xi32, #tpu.memory_space<vmem>>
      %dma_start3A_97 = tpu.memref_squeeze %dma_start3A_96 : memref<1x16x125xi32, #tpu.memory_space<vmem>> -> memref<16x125xi32, #tpu.memory_space<vmem>>
      %dma_start3A_98 = arith.constant 0 : i32
      %dma_start3A_99 = arith.constant 0 : i32
      %dma_start3A_100 = tpu.memref_slice %arg5[%dma_start3A, %add3A_92, %dma_start3A_98, %dma_start3A_99] : memref<2x160x16x125xi32, #tpu.memory_space<hbm>> -> memref<1x1x16x125xi32, #tpu.memory_space<hbm>>
      %dma_start3A_101 = tpu.memref_squeeze %dma_start3A_100 : memref<1x1x16x125xi32, #tpu.memory_space<hbm>> -> memref<16x125xi32, #tpu.memory_space<hbm>>
      %dma_start3A_102 = arith.constant 0 : i32
      %dma_start3A_103 = arith.constant 0 : i32
      %dma_start3A_104 = tpu.memref_slice %arg13[%dma_start3A_93, %dma_start3A_102, %dma_start3A_103] : memref<2x16x125xi32, #tpu.memory_space<vmem>> -> memref<1x16x125xi32, #tpu.memory_space<vmem>>
      %dma_start3A_105 = tpu.memref_squeeze %dma_start3A_104 : memref<1x16x125xi32, #tpu.memory_space<vmem>> -> memref<16x125xi32, #tpu.memory_space<vmem>>
      %dma_start3A_106 = arith.constant 0 : i32
      %dma_start3A_107 = arith.constant 0 : i32
      %dma_start3A_108 = tpu.memref_slice %arg5[%dma_start3A, %add3A_92, %dma_start3A_106, %dma_start3A_107] : memref<2x160x16x125xi32, #tpu.memory_space<hbm>> -> memref<1x1x16x125xi32, #tpu.memory_space<hbm>>
      %dma_start3A_109 = tpu.memref_squeeze %dma_start3A_108 : memref<1x1x16x125xi32, #tpu.memory_space<hbm>> -> memref<16x125xi32, #tpu.memory_space<hbm>>
      tpu.enqueue_dma source(%dma_start3A_109 : memref<16x125xi32, #tpu.memory_space<hbm>>) target(%dma_start3A_105 : memref<16x125xi32, #tpu.memory_space<vmem>>) target_semaphore(%arg22 : memref<!tpu.dma_semaphore, #tpu.memory_space<semaphore_mem>>)
      %dma_start3A_110 = arith.constant 1 : i32
      %dma_start3A_111 = arith.constant 0 : i32
      %dma_start3A_112 = arith.constant 0 : i32
      %dma_start3A_113 = arith.constant 0 : i32
      %dma_start3A_114 = tpu.memref_slice %arg14[%dma_start3A_111, %dma_start3A_112, %dma_start3A_113] : memref<2x16x125xi32, #tpu.memory_space<vmem>> -> memref<1x16x125xi32, #tpu.memory_space<vmem>>
      %dma_start3A_115 = tpu.memref_squeeze %dma_start3A_114 : memref<1x16x125xi32, #tpu.memory_space<vmem>> -> memref<16x125xi32, #tpu.memory_space<vmem>>
      %dma_start3A_116 = arith.constant 0 : i32
      %dma_start3A_117 = arith.constant 0 : i32
      %dma_start3A_118 = tpu.memref_slice %arg5[%dma_start3A_110, %add3A_92, %dma_start3A_116, %dma_start3A_117] : memref<2x160x16x125xi32, #tpu.memory_space<hbm>> -> memref<1x1x16x125xi32, #tpu.memory_space<hbm>>
      %dma_start3A_119 = tpu.memref_squeeze %dma_start3A_118 : memref<1x1x16x125xi32, #tpu.memory_space<hbm>> -> memref<16x125xi32, #tpu.memory_space<hbm>>
      %dma_start3A_120 = arith.constant 0 : i32
      %dma_start3A_121 = arith.constant 0 : i32
      %dma_start3A_122 = tpu.memref_slice %arg14[%dma_start3A_111, %dma_start3A_120, %dma_start3A_121] : memref<2x16x125xi32, #tpu.memory_space<vmem>> -> memref<1x16x125xi32, #tpu.memory_space<vmem>>
      %dma_start3A_123 = tpu.memref_squeeze %dma_start3A_122 : memref<1x16x125xi32, #tpu.memory_space<vmem>> -> memref<16x125xi32, #tpu.memory_space<vmem>>
      %dma_start3A_124 = arith.constant 0 : i32
      %dma_start3A_125 = arith.constant 0 : i32
      %dma_start3A_126 = tpu.memref_slice %arg5[%dma_start3A_110, %add3A_92, %dma_start3A_124, %dma_start3A_125] : memref<2x160x16x125xi32, #tpu.memory_space<hbm>> -> memref<1x1x16x125xi32, #tpu.memory_space<hbm>>
      %dma_start3A_127 = tpu.memref_squeeze %dma_start3A_126 : memref<1x1x16x125xi32, #tpu.memory_space<hbm>> -> memref<16x125xi32, #tpu.memory_space<hbm>>
      tpu.enqueue_dma source(%dma_start3A_127 : memref<16x125xi32, #tpu.memory_space<hbm>>) target(%dma_start3A_123 : memref<16x125xi32, #tpu.memory_space<vmem>>) target_semaphore(%arg22 : memref<!tpu.dma_semaphore, #tpu.memory_space<semaphore_mem>>)
    } else {
    }
    %broadcast_in_dim3A = arith.constant 0.000000e+00 : f32
    %broadcast_in_dim3A_7 = vector.broadcast %broadcast_in_dim3A : f32 to vector<16xf32>
    %scan3A = arith.constant 0 : i32
    %scan3A_8 = arith.constant 125 : i32
    %scan3A_9 = arith.addi %scan3A, %scan3A_8 : i32
    %scan3A_10 = arith.constant 1 : i32
    scf.for %scan3A_90 = %scan3A to %scan3A_9 step %scan3A_10  : i32 {
      %mul3A_91 = arith.constant 1 : i32
      %mul3A_92 = arith.muli %scan3A_90, %mul3A_91 : i32
      %add3A = arith.constant 0 : i32
      %add3A_93 = arith.addi %add3A, %mul3A_92 : i32
      %mul3A_94 = arith.constant 16 : i32
      %mul3A_95 = arith.muli %add3A_93, %mul3A_94 : i32
      %swap3A_96 = arith.index_cast %mul3A_95 : i32 to index
      %swap3A_97 = tpu.vector_load %arg17[%swap3A_96] {strides = array<i32>} : memref<2000xf32, #tpu.memory_space<vmem>>, vector<16xf32>,
      %swap3A_98 = vector.shape_cast %swap3A_97 : vector<16xf32> to vector<16xf32>
      %swap3A_99 = vector.shape_cast %broadcast_in_dim3A_7 : vector<16xf32> to vector<16xf32>
      tpu.vector_store %arg17[%swap3A_96], %swap3A_99 {strides = array<i32>} : memref<2000xf32, #tpu.memory_space<vmem>>, vector<16xf32>,
    }
    %scan3A_11 = arith.constant 125 : i32
    %broadcast_in_dim3A_12 = arith.constant 1.000000e+00 : f32
    %broadcast_in_dim3A_13 = vector.broadcast %broadcast_in_dim3A_12 : f32 to vector<16xf32>
    %swap3A = arith.constant 0 : index
    %swap3A_14 = tpu.vector_load %arg16[%swap3A] {strides = array<i32>} : memref<128xf32, #tpu.memory_space<vmem>>, vector<16xf32>,
    %swap3A_15 = vector.shape_cast %swap3A_14 : vector<16xf32> to vector<16xf32>
    %swap3A_16 = vector.shape_cast %broadcast_in_dim3A_13 : vector<16xf32> to vector<16xf32>
    tpu.vector_store %arg16[%swap3A], %swap3A_16 {strides = array<i32>} : memref<128xf32, #tpu.memory_space<vmem>>, vector<16xf32>,
    %broadcast_in_dim3A_17 = arith.constant 1.000000e+00 : f32
    %broadcast_in_dim3A_18 = vector.broadcast %broadcast_in_dim3A_17 : f32 to vector<16xf32>
    %swap3A_19 = arith.constant 16 : index
    %swap3A_20 = tpu.vector_load %arg16[%swap3A_19] {strides = array<i32>} : memref<128xf32, #tpu.memory_space<vmem>>, vector<16xf32>,
    %swap3A_21 = vector.shape_cast %swap3A_20 : vector<16xf32> to vector<16xf32>
    %swap3A_22 = vector.shape_cast %broadcast_in_dim3A_18 : vector<16xf32> to vector<16xf32>
    tpu.vector_store %arg16[%swap3A_19], %swap3A_22 {strides = array<i32>} : memref<128xf32, #tpu.memory_space<vmem>>, vector<16xf32>,
    %broadcast_in_dim3A_23 = arith.constant 1.000000e+00 : f32
    %broadcast_in_dim3A_24 = vector.broadcast %broadcast_in_dim3A_23 : f32 to vector<16xf32>
    %swap3A_25 = arith.constant 32 : index
    %swap3A_26 = tpu.vector_load %arg16[%swap3A_25] {strides = array<i32>} : memref<128xf32, #tpu.memory_space<vmem>>, vector<16xf32>,
    %swap3A_27 = vector.shape_cast %swap3A_26 : vector<16xf32> to vector<16xf32>
    %swap3A_28 = vector.shape_cast %broadcast_in_dim3A_24 : vector<16xf32> to vector<16xf32>
    tpu.vector_store %arg16[%swap3A_25], %swap3A_28 {strides = array<i32>} : memref<128xf32, #tpu.memory_space<vmem>>, vector<16xf32>,
    %broadcast_in_dim3A_29 = arith.constant 1.000000e+00 : f32
    %broadcast_in_dim3A_30 = vector.broadcast %broadcast_in_dim3A_29 : f32 to vector<16xf32>
    %swap3A_31 = arith.constant 48 : index
    %swap3A_32 = tpu.vector_load %arg16[%swap3A_31] {strides = array<i32>} : memref<128xf32, #tpu.memory_space<vmem>>, vector<16xf32>,
    %swap3A_33 = vector.shape_cast %swap3A_32 : vector<16xf32> to vector<16xf32>
    %swap3A_34 = vector.shape_cast %broadcast_in_dim3A_30 : vector<16xf32> to vector<16xf32>
    tpu.vector_store %arg16[%swap3A_31], %swap3A_34 {strides = array<i32>} : memref<128xf32, #tpu.memory_space<vmem>>, vector<16xf32>,
    %broadcast_in_dim3A_35 = arith.constant 1.000000e+00 : f32
    %broadcast_in_dim3A_36 = vector.broadcast %broadcast_in_dim3A_35 : f32 to vector<16xf32>
    %swap3A_37 = arith.constant 64 : index
    %swap3A_38 = tpu.vector_load %arg16[%swap3A_37] {strides = array<i32>} : memref<128xf32, #tpu.memory_space<vmem>>, vector<16xf32>,
    %swap3A_39 = vector.shape_cast %swap3A_38 : vector<16xf32> to vector<16xf32>
    %swap3A_40 = vector.shape_cast %broadcast_in_dim3A_36 : vector<16xf32> to vector<16xf32>
    tpu.vector_store %arg16[%swap3A_37], %swap3A_40 {strides = array<i32>} : memref<128xf32, #tpu.memory_space<vmem>>, vector<16xf32>,
    %broadcast_in_dim3A_41 = arith.constant 1.000000e+00 : f32
    %broadcast_in_dim3A_42 = vector.broadcast %broadcast_in_dim3A_41 : f32 to vector<16xf32>
    %swap3A_43 = arith.constant 80 : index
    %swap3A_44 = tpu.vector_load %arg16[%swap3A_43] {strides = array<i32>} : memref<128xf32, #tpu.memory_space<vmem>>, vector<16xf32>,
    %swap3A_45 = vector.shape_cast %swap3A_44 : vector<16xf32> to vector<16xf32>
    %swap3A_46 = vector.shape_cast %broadcast_in_dim3A_42 : vector<16xf32> to vector<16xf32>
    tpu.vector_store %arg16[%swap3A_43], %swap3A_46 {strides = array<i32>} : memref<128xf32, #tpu.memory_space<vmem>>, vector<16xf32>,
    %broadcast_in_dim3A_47 = arith.constant 1.000000e+00 : f32
    %broadcast_in_dim3A_48 = vector.broadcast %broadcast_in_dim3A_47 : f32 to vector<16xf32>
    %swap3A_49 = arith.constant 96 : index
    %swap3A_50 = tpu.vector_load %arg16[%swap3A_49] {strides = array<i32>} : memref<128xf32, #tpu.memory_space<vmem>>, vector<16xf32>,
    %swap3A_51 = vector.shape_cast %swap3A_50 : vector<16xf32> to vector<16xf32>
    %swap3A_52 = vector.shape_cast %broadcast_in_dim3A_48 : vector<16xf32> to vector<16xf32>
    tpu.vector_store %arg16[%swap3A_49], %swap3A_52 {strides = array<i32>} : memref<128xf32, #tpu.memory_space<vmem>>, vector<16xf32>,
    %broadcast_in_dim3A_53 = arith.constant 1.000000e+00 : f32
    %broadcast_in_dim3A_54 = vector.broadcast %broadcast_in_dim3A_53 : f32 to vector<16xf32>
    %swap3A_55 = arith.constant 112 : index
    %swap3A_56 = tpu.vector_load %arg16[%swap3A_55] {strides = array<i32>} : memref<128xf32, #tpu.memory_space<vmem>>, vector<16xf32>,
    %swap3A_57 = vector.shape_cast %swap3A_56 : vector<16xf32> to vector<16xf32>
    %swap3A_58 = vector.shape_cast %broadcast_in_dim3A_54 : vector<16xf32> to vector<16xf32>
    tpu.vector_store %arg16[%swap3A_55], %swap3A_58 {strides = array<i32>} : memref<128xf32, #tpu.memory_space<vmem>>, vector<16xf32>,
    %mul3A = arith.constant 624 : i32
    %mul3A_59 = arith.muli %arg1, %mul3A : i32
    "tpu.region"() ({
      %run_scoped3A = tpu.sem_alloc : memref<!tpu.dma_semaphore, #tpu.memory_space<semaphore_mem>>
      %dma_start3A = arith.constant 0 : i32
      %dma_start3A_90 = tpu.memref_slice %arg11[%mul3A_59, %dma_start3A] : memref<10000x128xf32, #tpu.memory_space<vmem_shared>> -> memref<624x128xf32, #tpu.memory_space<vmem_shared>>
      %dma_start3A_91 = arith.constant 0 : i32
      %dma_start3A_92 = arith.constant 0 : i32
      %dma_start3A_93 = tpu.memref_slice %arg6[%dma_start3A_91, %dma_start3A_92] : memref<624x128xf32, #tpu.memory_space<hbm>> -> memref<624x128xf32, #tpu.memory_space<hbm>>
      tpu.enqueue_dma source(%dma_start3A_93 : memref<624x128xf32, #tpu.memory_space<hbm>>) target(%dma_start3A_90 : memref<624x128xf32, #tpu.memory_space<vmem_shared>>) target_semaphore(%run_scoped3A : memref<!tpu.dma_semaphore, #tpu.memory_space<semaphore_mem>>)
      %dma_wait3A = arith.constant 0 : i32
      %dma_wait3A_94 = tpu.memref_slice %arg11[%mul3A_59, %dma_wait3A] : memref<10000x128xf32, #tpu.memory_space<vmem_shared>> -> memref<624x128xf32, #tpu.memory_space<vmem_shared>>
      %dma_wait3A_95 = arith.constant 0 : i32
      %dma_wait3A_96 = arith.constant 0 : i32
      %dma_wait3A_97 = tpu.memref_slice %arg6[%dma_wait3A_95, %dma_wait3A_96] : memref<624x128xf32, #tpu.memory_space<hbm>> -> memref<624x128xf32, #tpu.memory_space<hbm>>
      tpu.wait_dma2 semaphore(%run_scoped3A : memref<!tpu.dma_semaphore, #tpu.memory_space<semaphore_mem>>) src(%dma_wait3A_97 : memref<624x128xf32, #tpu.memory_space<hbm>>) dst(%dma_wait3A_94 : memref<624x128xf32, #tpu.memory_space<vmem_shared>>)
      tpu.yield
    }) : () -> ()
    %eq3A_60 = arith.constant 0 : i32
    %eq3A_61 = arith.cmpi eq, %arg1, %eq3A_60 : i32
    %convert_element_type3A_62 = arith.extui %eq3A_61 : i1 to i32
    %cond3A_63 = arith.constant 0 : i32
    %cond3A_64 = arith.cmpi ne, %convert_element_type3A_62, %cond3A_63 : i32
    scf.if %cond3A_64 {
      "tpu.region"() ({
        %run_scoped3A = tpu.sem_alloc : memref<!tpu.dma_semaphore, #tpu.memory_space<semaphore_mem>>
        %dma_start3A = arith.constant 9984 : i32
        %dma_start3A_90 = arith.constant 0 : i32
        %dma_start3A_91 = tpu.memref_slice %arg11[%dma_start3A, %dma_start3A_90] : memref<10000x128xf32, #tpu.memory_space<vmem_shared>> -> memref<16x128xf32, #tpu.memory_space<vmem_shared>>
        %dma_start3A_92 = arith.constant 0 : i32
        %dma_start3A_93 = arith.constant 0 : i32
        %dma_start3A_94 = tpu.memref_slice %arg6[%dma_start3A_92, %dma_start3A_93] : memref<624x128xf32, #tpu.memory_space<hbm>> -> memref<16x128xf32, #tpu.memory_space<hbm>>
        tpu.enqueue_dma source(%dma_start3A_94 : memref<16x128xf32, #tpu.memory_space<hbm>>) target(%dma_start3A_91 : memref<16x128xf32, #tpu.memory_space<vmem_shared>>) target_semaphore(%run_scoped3A : memref<!tpu.dma_semaphore, #tpu.memory_space<semaphore_mem>>)
        %dma_wait3A = arith.constant 9984 : i32
        %dma_wait3A_95 = arith.constant 0 : i32
        %dma_wait3A_96 = tpu.memref_slice %arg11[%dma_wait3A, %dma_wait3A_95] : memref<10000x128xf32, #tpu.memory_space<vmem_shared>> -> memref<16x128xf32, #tpu.memory_space<vmem_shared>>
        %dma_wait3A_97 = arith.constant 0 : i32
        %dma_wait3A_98 = arith.constant 0 : i32
        %dma_wait3A_99 = tpu.memref_slice %arg6[%dma_wait3A_97, %dma_wait3A_98] : memref<624x128xf32, #tpu.memory_space<hbm>> -> memref<16x128xf32, #tpu.memory_space<hbm>>
        tpu.wait_dma2 semaphore(%run_scoped3A : memref<!tpu.dma_semaphore, #tpu.memory_space<semaphore_mem>>) src(%dma_wait3A_99 : memref<16x128xf32, #tpu.memory_space<hbm>>) dst(%dma_wait3A_96 : memref<16x128xf32, #tpu.memory_space<vmem_shared>>)
        tpu.yield
      }) : () -> ()
    } else {
    }
    %lt3A = arith.constant 5 : i32
    %lt3A_65 = arith.cmpi slt, %arg1, %lt3A : i32
    %convert_element_type3A_66 = arith.extui %lt3A_65 : i1 to i32
    %cond3A_67 = arith.constant 0 : i32
    %cond3A_68 = arith.cmpi ne, %convert_element_type3A_66, %cond3A_67 : i32
    scf.if %cond3A_68 {
      %mul3A_90 = arith.constant 2000 : i32
      %mul3A_91 = arith.muli %arg1, %mul3A_90 : i32
      "tpu.region"() ({
        %run_scoped3A = tpu.sem_alloc : memref<!tpu.dma_semaphore, #tpu.memory_space<semaphore_mem>>
        %dma_start3A = tpu.memref_slice %arg12[%mul3A_91] : memref<10000xf32, #tpu.memory_space<vmem_shared>> -> memref<2000xf32, #tpu.memory_space<vmem_shared>>
        %dma_start3A_92 = tpu.memref_slice %arg12[%mul3A_91] : memref<10000xf32, #tpu.memory_space<vmem_shared>> -> memref<2000xf32, #tpu.memory_space<vmem_shared>>
        tpu.enqueue_dma source(%arg17 : memref<2000xf32, #tpu.memory_space<vmem>>) target(%dma_start3A_92 : memref<2000xf32, #tpu.memory_space<vmem_shared>>) target_semaphore(%run_scoped3A : memref<!tpu.dma_semaphore, #tpu.memory_space<semaphore_mem>>)
        %dma_wait3A = tpu.memref_slice %arg12[%mul3A_91] : memref<10000xf32, #tpu.memory_space<vmem_shared>> -> memref<2000xf32, #tpu.memory_space<vmem_shared>>
        %dma_wait3A_93 = tpu.memref_slice %arg12[%mul3A_91] : memref<10000xf32, #tpu.memory_space<vmem_shared>> -> memref<2000xf32, #tpu.memory_space<vmem_shared>>
        tpu.wait_dma2 semaphore(%run_scoped3A : memref<!tpu.dma_semaphore, #tpu.memory_space<semaphore_mem>>) src(%arg17 : memref<2000xf32, #tpu.memory_space<vmem>>) dst(%dma_wait3A_93 : memref<2000xf32, #tpu.memory_space<vmem_shared>>)
        tpu.yield
      }) : () -> ()
    } else {
    }
    %barrier3A = arith.constant 0 : index
    tpu.barrier barrier_id(%barrier3A)
    %eq3A_69 = arith.constant 0 : i32
    %eq3A_70 = arith.cmpi eq, %arg0, %eq3A_69 : i32
    %convert_element_type3A_71 = arith.extui %eq3A_70 : i1 to i32
    %cond3A_72 = arith.constant 0 : i32
    %cond3A_73 = arith.cmpi ne, %convert_element_type3A_71, %cond3A_72 : i32
    scf.if %cond3A_73 {
      %scan3A_90 = arith.constant 0 : i32
      %scan3A_91 = arith.constant 10 : i32
      %scan3A_92 = arith.addi %scan3A_90, %scan3A_91 : i32
      %scan3A_93 = arith.constant 1 : i32
      scf.for %scan3A_138 = %scan3A_90 to %scan3A_92 step %scan3A_93  : i32 {
        %mul3A_139 = arith.constant 1 : i32
        %mul3A_140 = arith.muli %scan3A_138, %mul3A_139 : i32
        %add3A = arith.constant 0 : i32
        %add3A_141 = arith.addi %add3A, %mul3A_140 : i32
        %rem3A = arith.constant 2 : i32
        %rem3A_142 = arith.remsi %add3A_141, %rem3A : i32
        %gt3A = arith.constant 0 : i32
        %gt3A_143 = arith.cmpi sgt, %add3A_141, %gt3A : i32
        %convert_element_type3A_144 = arith.extui %gt3A_143 : i1 to i32
        %cond3A_145 = arith.constant 0 : i32
        %cond3A_146 = arith.cmpi ne, %convert_element_type3A_144, %cond3A_145 : i32
        scf.if %cond3A_146 {
          %dma_wait3A_193 = arith.constant 0 : i32
          %dma_wait3A_194 = arith.constant 0 : i32
          %dma_wait3A_195 = arith.constant 0 : i32
          %dma_wait3A_196 = arith.constant 0 : i32
          %dma_wait3A_197 = arith.constant 0 : i32
          %dma_wait3A_198 = tpu.memref_slice %arg15[%dma_wait3A_193, %dma_wait3A_196, %dma_wait3A_197] : memref<2x125x128xf32, #tpu.memory_space<vmem>> -> memref<1x125x128xf32, #tpu.memory_space<vmem>>
          %dma_wait3A_199 = tpu.memref_squeeze %dma_wait3A_198 : memref<1x125x128xf32, #tpu.memory_space<vmem>> -> memref<125x128xf32, #tpu.memory_space<vmem>>
          %dma_wait3A_200 = arith.constant 0 : i32
          %dma_wait3A_201 = tpu.memref_slice %arg14[%dma_wait3A_194, %dma_wait3A_195, %dma_wait3A_200] : memref<2x16x125xi32, #tpu.memory_space<vmem>> -> memref<1x1x125xi32, #tpu.memory_space<vmem>>
          %dma_wait3A_202 = tpu.memref_squeeze %dma_wait3A_201 : memref<1x1x125xi32, #tpu.memory_space<vmem>> -> memref<125xi32, #tpu.memory_space<vmem>>
          %dma_wait3A_203 = arith.constant 0 : i32
          %dma_wait3A_204 = arith.constant 0 : i32
          %dma_wait3A_205 = tpu.memref_slice %arg11[%dma_wait3A_203, %dma_wait3A_204] : memref<10000x128xf32, #tpu.memory_space<vmem_shared>> -> memref<10000x128xf32, #tpu.memory_space<vmem_shared>>
          tpu.wait_indirect_dma semaphore(%arg20 : memref<!tpu.dma_semaphore, #tpu.memory_space<semaphore_mem>>) src(%dma_wait3A_199 : memref<125x128xf32, #tpu.memory_space<vmem>>) dst(%dma_wait3A_205 : memref<10000x128xf32, #tpu.memory_space<vmem_shared>>)
          %dma_wait3A_206 = arith.constant 0 : i32
          %dma_wait3A_207 = arith.constant 0 : i32
          %dma_wait3A_208 = arith.constant 0 : i32
          %dma_wait3A_209 = tpu.memref_slice %arg16[%dma_wait3A_208] : memref<128xf32, #tpu.memory_space<vmem>> -> memref<125xf32, #tpu.memory_space<vmem>>
          %dma_wait3A_210 = arith.constant 0 : i32
          %dma_wait3A_211 = tpu.memref_slice %arg14[%dma_wait3A_206, %dma_wait3A_207, %dma_wait3A_210] : memref<2x16x125xi32, #tpu.memory_space<vmem>> -> memref<1x1x125xi32, #tpu.memory_space<vmem>>
          %dma_wait3A_212 = tpu.memref_squeeze %dma_wait3A_211 : memref<1x1x125xi32, #tpu.memory_space<vmem>> -> memref<125xi32, #tpu.memory_space<vmem>>
          %dma_wait3A_213 = arith.constant 0 : i32
          %dma_wait3A_214 = tpu.memref_slice %arg12[%dma_wait3A_213] : memref<10000xf32, #tpu.memory_space<vmem_shared>> -> memref<10000xf32, #tpu.memory_space<vmem_shared>>
          tpu.wait_indirect_dma semaphore(%arg20 : memref<!tpu.dma_semaphore, #tpu.memory_space<semaphore_mem>>) src(%dma_wait3A_209 : memref<125xf32, #tpu.memory_space<vmem>>) dst(%dma_wait3A_214 : memref<10000xf32, #tpu.memory_space<vmem_shared>>)
          %dma_wait3A_215 = arith.constant 1 : i32
          %dma_wait3A_216 = arith.constant 0 : i32
          %dma_wait3A_217 = arith.constant 0 : i32
          %dma_wait3A_218 = arith.constant 0 : i32
          %dma_wait3A_219 = arith.constant 0 : i32
          %dma_wait3A_220 = tpu.memref_slice %arg15[%dma_wait3A_215, %dma_wait3A_218, %dma_wait3A_219] : memref<2x125x128xf32, #tpu.memory_space<vmem>> -> memref<1x125x128xf32, #tpu.memory_space<vmem>>
          %dma_wait3A_221 = tpu.memref_squeeze %dma_wait3A_220 : memref<1x125x128xf32, #tpu.memory_space<vmem>> -> memref<125x128xf32, #tpu.memory_space<vmem>>
          %dma_wait3A_222 = arith.constant 0 : i32
          %dma_wait3A_223 = tpu.memref_slice %arg14[%dma_wait3A_216, %dma_wait3A_217, %dma_wait3A_222] : memref<2x16x125xi32, #tpu.memory_space<vmem>> -> memref<1x1x125xi32, #tpu.memory_space<vmem>>
          %dma_wait3A_224 = tpu.memref_squeeze %dma_wait3A_223 : memref<1x1x125xi32, #tpu.memory_space<vmem>> -> memref<125xi32, #tpu.memory_space<vmem>>
          %dma_wait3A_225 = arith.constant 0 : i32
          %dma_wait3A_226 = arith.constant 0 : i32
          %dma_wait3A_227 = tpu.memref_slice %arg11[%dma_wait3A_225, %dma_wait3A_226] : memref<10000x128xf32, #tpu.memory_space<vmem_shared>> -> memref<10000x128xf32, #tpu.memory_space<vmem_shared>>
          tpu.wait_indirect_dma semaphore(%arg21 : memref<!tpu.dma_semaphore, #tpu.memory_space<semaphore_mem>>) src(%dma_wait3A_221 : memref<125x128xf32, #tpu.memory_space<vmem>>) dst(%dma_wait3A_227 : memref<10000x128xf32, #tpu.memory_space<vmem_shared>>)
          %dma_wait3A_228 = arith.constant 0 : i32
          %dma_wait3A_229 = arith.constant 0 : i32
          %dma_wait3A_230 = arith.constant 0 : i32
          %dma_wait3A_231 = tpu.memref_slice %arg16[%dma_wait3A_230] : memref<128xf32, #tpu.memory_space<vmem>> -> memref<125xf32, #tpu.memory_space<vmem>>
          %dma_wait3A_232 = arith.constant 0 : i32
          %dma_wait3A_233 = tpu.memref_slice %arg14[%dma_wait3A_228, %dma_wait3A_229, %dma_wait3A_232] : memref<2x16x125xi32, #tpu.memory_space<vmem>> -> memref<1x1x125xi32, #tpu.memory_space<vmem>>
          %dma_wait3A_234 = tpu.memref_squeeze %dma_wait3A_233 : memref<1x1x125xi32, #tpu.memory_space<vmem>> -> memref<125xi32, #tpu.memory_space<vmem>>
          %dma_wait3A_235 = arith.constant 0 : i32
          %dma_wait3A_236 = tpu.memref_slice %arg12[%dma_wait3A_235] : memref<10000xf32, #tpu.memory_space<vmem_shared>> -> memref<10000xf32, #tpu.memory_space<vmem_shared>>
          tpu.wait_indirect_dma semaphore(%arg21 : memref<!tpu.dma_semaphore, #tpu.memory_space<semaphore_mem>>) src(%dma_wait3A_231 : memref<125xf32, #tpu.memory_space<vmem>>) dst(%dma_wait3A_236 : memref<10000xf32, #tpu.memory_space<vmem_shared>>)
        } else {
        }
        %dma_wait3A_147 = arith.constant 0 : i32
        %dma_wait3A_148 = arith.constant 0 : i32
        %dma_wait3A_149 = arith.constant 0 : i32
        %dma_wait3A_150 = arith.constant 0 : i32
        %dma_wait3A_151 = tpu.memref_slice %arg13[%rem3A_142, %dma_wait3A_149, %dma_wait3A_150] : memref<2x16x125xi32, #tpu.memory_space<vmem>> -> memref<1x16x125xi32, #tpu.memory_space<vmem>>
        %dma_wait3A_152 = tpu.memref_squeeze %dma_wait3A_151 : memref<1x16x125xi32, #tpu.memory_space<vmem>> -> memref<16x125xi32, #tpu.memory_space<vmem>>
        %dma_wait3A_153 = arith.constant 0 : i32
        %dma_wait3A_154 = arith.constant 0 : i32
        %dma_wait3A_155 = tpu.memref_slice %arg4[%dma_wait3A_147, %dma_wait3A_148, %dma_wait3A_153, %dma_wait3A_154] : memref<2x160x16x125xi32, #tpu.memory_space<hbm>> -> memref<1x1x16x125xi32, #tpu.memory_space<hbm>>
        %dma_wait3A_156 = tpu.memref_squeeze %dma_wait3A_155 : memref<1x1x16x125xi32, #tpu.memory_space<hbm>> -> memref<16x125xi32, #tpu.memory_space<hbm>>
        %dma_wait3A_157 = arith.constant 0 : i32
        %dma_wait3A_158 = arith.constant 0 : i32
        %dma_wait3A_159 = tpu.memref_slice %arg13[%rem3A_142, %dma_wait3A_157, %dma_wait3A_158] : memref<2x16x125xi32, #tpu.memory_space<vmem>> -> memref<1x16x125xi32, #tpu.memory_space<vmem>>
        %dma_wait3A_160 = tpu.memref_squeeze %dma_wait3A_159 : memref<1x16x125xi32, #tpu.memory_space<vmem>> -> memref<16x125xi32, #tpu.memory_space<vmem>>
        %dma_wait3A_161 = arith.constant 0 : i32
        %dma_wait3A_162 = arith.constant 0 : i32
        %dma_wait3A_163 = tpu.memref_slice %arg4[%dma_wait3A_147, %dma_wait3A_148, %dma_wait3A_161, %dma_wait3A_162] : memref<2x160x16x125xi32, #tpu.memory_space<hbm>> -> memref<1x1x16x125xi32, #tpu.memory_space<hbm>>
        %dma_wait3A_164 = tpu.memref_squeeze %dma_wait3A_163 : memref<1x1x16x125xi32, #tpu.memory_space<hbm>> -> memref<16x125xi32, #tpu.memory_space<hbm>>
        tpu.wait_dma2 semaphore(%arg22 : memref<!tpu.dma_semaphore, #tpu.memory_space<semaphore_mem>>) src(%dma_wait3A_164 : memref<16x125xi32, #tpu.memory_space<hbm>>) dst(%dma_wait3A_160 : memref<16x125xi32, #tpu.memory_space<vmem>>)
        %dma_wait3A_165 = arith.constant 1 : i32
        %dma_wait3A_166 = arith.constant 0 : i32
        %dma_wait3A_167 = arith.constant 0 : i32
        %dma_wait3A_168 = arith.constant 0 : i32
        %dma_wait3A_169 = tpu.memref_slice %arg14[%rem3A_142, %dma_wait3A_167, %dma_wait3A_168] : memref<2x16x125xi32, #tpu.memory_space<vmem>> -> memref<1x16x125xi32, #tpu.memory_space<vmem>>
        %dma_wait3A_170 = tpu.memref_squeeze %dma_wait3A_169 : memref<1x16x125xi32, #tpu.memory_space<vmem>> -> memref<16x125xi32, #tpu.memory_space<vmem>>
        %dma_wait3A_171 = arith.constant 0 : i32
        %dma_wait3A_172 = arith.constant 0 : i32
        %dma_wait3A_173 = tpu.memref_slice %arg4[%dma_wait3A_165, %dma_wait3A_166, %dma_wait3A_171, %dma_wait3A_172] : memref<2x160x16x125xi32, #tpu.memory_space<hbm>> -> memref<1x1x16x125xi32, #tpu.memory_space<hbm>>
        %dma_wait3A_174 = tpu.memref_squeeze %dma_wait3A_173 : memref<1x1x16x125xi32, #tpu.memory_space<hbm>> -> memref<16x125xi32, #tpu.memory_space<hbm>>
        %dma_wait3A_175 = arith.constant 0 : i32
        %dma_wait3A_176 = arith.constant 0 : i32
        %dma_wait3A_177 = tpu.memref_slice %arg14[%rem3A_142, %dma_wait3A_175, %dma_wait3A_176] : memref<2x16x125xi32, #tpu.memory_space<vmem>> -> memref<1x16x125xi32, #tpu.memory_space<vmem>>
        %dma_wait3A_178 = tpu.memref_squeeze %dma_wait3A_177 : memref<1x16x125xi32, #tpu.memory_space<vmem>> -> memref<16x125xi32, #tpu.memory_space<vmem>>
        %dma_wait3A_179 = arith.constant 0 : i32
        %dma_wait3A_180 = arith.constant 0 : i32
        %dma_wait3A_181 = tpu.memref_slice %arg4[%dma_wait3A_165, %dma_wait3A_166, %dma_wait3A_179, %dma_wait3A_180] : memref<2x160x16x125xi32, #tpu.memory_space<hbm>> -> memref<1x1x16x125xi32, #tpu.memory_space<hbm>>
        %dma_wait3A_182 = tpu.memref_squeeze %dma_wait3A_181 : memref<1x1x16x125xi32, #tpu.memory_space<hbm>> -> memref<16x125xi32, #tpu.memory_space<hbm>>
        tpu.wait_dma2 semaphore(%arg22 : memref<!tpu.dma_semaphore, #tpu.memory_space<semaphore_mem>>) src(%dma_wait3A_182 : memref<16x125xi32, #tpu.memory_space<hbm>>) dst(%dma_wait3A_178 : memref<16x125xi32, #tpu.memory_space<vmem>>)
        %lt3A_183 = arith.constant 9 : i32
        %lt3A_184 = arith.cmpi slt, %add3A_141, %lt3A_183 : i32
        %convert_element_type3A_185 = arith.extui %lt3A_184 : i1 to i32
        %cond3A_186 = arith.constant 0 : i32
        %cond3A_187 = arith.cmpi ne, %convert_element_type3A_185, %cond3A_186 : i32
        scf.if %cond3A_187 {
          %add3A_193 = arith.constant 1 : i32
          %add3A_194 = arith.addi %add3A_141, %add3A_193 : i32
          %sub3A = arith.constant 1 : i32
          %sub3A_195 = arith.subi %sub3A, %rem3A_142 : i32
          %mul3A_196 = arith.constant 10 : i32
          %mul3A_197 = arith.muli %arg1, %mul3A_196 : i32
          %add3A_198 = arith.addi %mul3A_197, %add3A_194 : i32
          %dma_start3A = arith.constant 0 : i32
          %dma_start3A_199 = arith.constant 0 : i32
          %dma_start3A_200 = arith.constant 0 : i32
          %dma_start3A_201 = tpu.memref_slice %arg13[%sub3A_195, %dma_start3A_199, %dma_start3A_200] : memref<2x16x125xi32, #tpu.memory_space<vmem>> -> memref<1x16x125xi32, #tpu.memory_space<vmem>>
          %dma_start3A_202 = tpu.memref_squeeze %dma_start3A_201 : memref<1x16x125xi32, #tpu.memory_space<vmem>> -> memref<16x125xi32, #tpu.memory_space<vmem>>
          %dma_start3A_203 = arith.constant 0 : i32
          %dma_start3A_204 = arith.constant 0 : i32
          %dma_start3A_205 = tpu.memref_slice %arg4[%dma_start3A, %add3A_198, %dma_start3A_203, %dma_start3A_204] : memref<2x160x16x125xi32, #tpu.memory_space<hbm>> -> memref<1x1x16x125xi32, #tpu.memory_space<hbm>>
          %dma_start3A_206 = tpu.memref_squeeze %dma_start3A_205 : memref<1x1x16x125xi32, #tpu.memory_space<hbm>> -> memref<16x125xi32, #tpu.memory_space<hbm>>
          %dma_start3A_207 = arith.constant 0 : i32
          %dma_start3A_208 = arith.constant 0 : i32
          %dma_start3A_209 = tpu.memref_slice %arg13[%sub3A_195, %dma_start3A_207, %dma_start3A_208] : memref<2x16x125xi32, #tpu.memory_space<vmem>> -> memref<1x16x125xi32, #tpu.memory_space<vmem>>
          %dma_start3A_210 = tpu.memref_squeeze %dma_start3A_209 : memref<1x16x125xi32, #tpu.memory_space<vmem>> -> memref<16x125xi32, #tpu.memory_space<vmem>>
          %dma_start3A_211 = arith.constant 0 : i32
          %dma_start3A_212 = arith.constant 0 : i32
          %dma_start3A_213 = tpu.memref_slice %arg4[%dma_start3A, %add3A_198, %dma_start3A_211, %dma_start3A_212] : memref<2x160x16x125xi32, #tpu.memory_space<hbm>> -> memref<1x1x16x125xi32, #tpu.memory_space<hbm>>
          %dma_start3A_214 = tpu.memref_squeeze %dma_start3A_213 : memref<1x1x16x125xi32, #tpu.memory_space<hbm>> -> memref<16x125xi32, #tpu.memory_space<hbm>>
          tpu.enqueue_dma source(%dma_start3A_214 : memref<16x125xi32, #tpu.memory_space<hbm>>) target(%dma_start3A_210 : memref<16x125xi32, #tpu.memory_space<vmem>>) target_semaphore(%arg22 : memref<!tpu.dma_semaphore, #tpu.memory_space<semaphore_mem>>)
          %dma_start3A_215 = arith.constant 1 : i32
          %dma_start3A_216 = arith.constant 0 : i32
          %dma_start3A_217 = arith.constant 0 : i32
          %dma_start3A_218 = tpu.memref_slice %arg14[%sub3A_195, %dma_start3A_216, %dma_start3A_217] : memref<2x16x125xi32, #tpu.memory_space<vmem>> -> memref<1x16x125xi32, #tpu.memory_space<vmem>>
          %dma_start3A_219 = tpu.memref_squeeze %dma_start3A_218 : memref<1x16x125xi32, #tpu.memory_space<vmem>> -> memref<16x125xi32, #tpu.memory_space<vmem>>
          %dma_start3A_220 = arith.constant 0 : i32
          %dma_start3A_221 = arith.constant 0 : i32
          %dma_start3A_222 = tpu.memref_slice %arg4[%dma_start3A_215, %add3A_198, %dma_start3A_220, %dma_start3A_221] : memref<2x160x16x125xi32, #tpu.memory_space<hbm>> -> memref<1x1x16x125xi32, #tpu.memory_space<hbm>>
          %dma_start3A_223 = tpu.memref_squeeze %dma_start3A_222 : memref<1x1x16x125xi32, #tpu.memory_space<hbm>> -> memref<16x125xi32, #tpu.memory_space<hbm>>
          %dma_start3A_224 = arith.constant 0 : i32
          %dma_start3A_225 = arith.constant 0 : i32
          %dma_start3A_226 = tpu.memref_slice %arg14[%sub3A_195, %dma_start3A_224, %dma_start3A_225] : memref<2x16x125xi32, #tpu.memory_space<vmem>> -> memref<1x16x125xi32, #tpu.memory_space<vmem>>
          %dma_start3A_227 = tpu.memref_squeeze %dma_start3A_226 : memref<1x16x125xi32, #tpu.memory_space<vmem>> -> memref<16x125xi32, #tpu.memory_space<vmem>>
          %dma_start3A_228 = arith.constant 0 : i32
          %dma_start3A_229 = arith.constant 0 : i32
          %dma_start3A_230 = tpu.memref_slice %arg4[%dma_start3A_215, %add3A_198, %dma_start3A_228, %dma_start3A_229] : memref<2x160x16x125xi32, #tpu.memory_space<hbm>> -> memref<1x1x16x125xi32, #tpu.memory_space<hbm>>
          %dma_start3A_231 = tpu.memref_squeeze %dma_start3A_230 : memref<1x1x16x125xi32, #tpu.memory_space<hbm>> -> memref<16x125xi32, #tpu.memory_space<hbm>>
          tpu.enqueue_dma source(%dma_start3A_231 : memref<16x125xi32, #tpu.memory_space<hbm>>) target(%dma_start3A_227 : memref<16x125xi32, #tpu.memory_space<vmem>>) target_semaphore(%arg22 : memref<!tpu.dma_semaphore, #tpu.memory_space<semaphore_mem>>)
        } else {
        }
        %scan3A_188 = arith.constant 0 : i32
        %scan3A_189 = arith.constant 8 : i32
        %scan3A_190 = arith.addi %scan3A_188, %scan3A_189 : i32
        %scan3A_191 = arith.constant 1 : i32
        scf.for %scan3A_193 = %scan3A_188 to %scan3A_190 step %scan3A_191  : i32 {
          %mul3A_194 = arith.constant 1 : i32
          %mul3A_195 = arith.muli %scan3A_193, %mul3A_194 : i32
          %add3A_196 = arith.constant 0 : i32
          %add3A_197 = arith.addi %add3A_196, %mul3A_195 : i32
          %gt3A_198 = arith.constant 0 : i32
          %gt3A_199 = arith.cmpi sgt, %add3A_197, %gt3A_198 : i32
          %convert_element_type3A_200 = arith.extui %gt3A_199 : i1 to i32
          %cond3A_201 = arith.constant 0 : i32
          %cond3A_202 = arith.cmpi ne, %convert_element_type3A_200, %cond3A_201 : i32
          scf.if %cond3A_202 {
            %dma_wait3A_294 = arith.constant 0 : i32
            %dma_wait3A_295 = arith.constant 0 : i32
            %dma_wait3A_296 = arith.constant 0 : i32
            %dma_wait3A_297 = arith.constant 0 : i32
            %dma_wait3A_298 = arith.constant 0 : i32
            %dma_wait3A_299 = tpu.memref_slice %arg15[%dma_wait3A_294, %dma_wait3A_297, %dma_wait3A_298] : memref<2x125x128xf32, #tpu.memory_space<vmem>> -> memref<1x125x128xf32, #tpu.memory_space<vmem>>
            %dma_wait3A_300 = tpu.memref_squeeze %dma_wait3A_299 : memref<1x125x128xf32, #tpu.memory_space<vmem>> -> memref<125x128xf32, #tpu.memory_space<vmem>>
            %dma_wait3A_301 = arith.constant 0 : i32
            %dma_wait3A_302 = tpu.memref_slice %arg14[%dma_wait3A_295, %dma_wait3A_296, %dma_wait3A_301] : memref<2x16x125xi32, #tpu.memory_space<vmem>> -> memref<1x1x125xi32, #tpu.memory_space<vmem>>
            %dma_wait3A_303 = tpu.memref_squeeze %dma_wait3A_302 : memref<1x1x125xi32, #tpu.memory_space<vmem>> -> memref<125xi32, #tpu.memory_space<vmem>>
            %dma_wait3A_304 = arith.constant 0 : i32
            %dma_wait3A_305 = arith.constant 0 : i32
            %dma_wait3A_306 = tpu.memref_slice %arg11[%dma_wait3A_304, %dma_wait3A_305] : memref<10000x128xf32, #tpu.memory_space<vmem_shared>> -> memref<10000x128xf32, #tpu.memory_space<vmem_shared>>
            tpu.wait_indirect_dma semaphore(%arg20 : memref<!tpu.dma_semaphore, #tpu.memory_space<semaphore_mem>>) src(%dma_wait3A_300 : memref<125x128xf32, #tpu.memory_space<vmem>>) dst(%dma_wait3A_306 : memref<10000x128xf32, #tpu.memory_space<vmem_shared>>)
            %dma_wait3A_307 = arith.constant 0 : i32
            %dma_wait3A_308 = arith.constant 0 : i32
            %dma_wait3A_309 = arith.constant 0 : i32
            %dma_wait3A_310 = tpu.memref_slice %arg16[%dma_wait3A_309] : memref<128xf32, #tpu.memory_space<vmem>> -> memref<125xf32, #tpu.memory_space<vmem>>
            %dma_wait3A_311 = arith.constant 0 : i32
            %dma_wait3A_312 = tpu.memref_slice %arg14[%dma_wait3A_307, %dma_wait3A_308, %dma_wait3A_311] : memref<2x16x125xi32, #tpu.memory_space<vmem>> -> memref<1x1x125xi32, #tpu.memory_space<vmem>>
            %dma_wait3A_313 = tpu.memref_squeeze %dma_wait3A_312 : memref<1x1x125xi32, #tpu.memory_space<vmem>> -> memref<125xi32, #tpu.memory_space<vmem>>
            %dma_wait3A_314 = arith.constant 0 : i32
            %dma_wait3A_315 = tpu.memref_slice %arg12[%dma_wait3A_314] : memref<10000xf32, #tpu.memory_space<vmem_shared>> -> memref<10000xf32, #tpu.memory_space<vmem_shared>>
            tpu.wait_indirect_dma semaphore(%arg20 : memref<!tpu.dma_semaphore, #tpu.memory_space<semaphore_mem>>) src(%dma_wait3A_310 : memref<125xf32, #tpu.memory_space<vmem>>) dst(%dma_wait3A_315 : memref<10000xf32, #tpu.memory_space<vmem_shared>>)
            %dma_wait3A_316 = arith.constant 1 : i32
            %dma_wait3A_317 = arith.constant 0 : i32
            %dma_wait3A_318 = arith.constant 0 : i32
            %dma_wait3A_319 = arith.constant 0 : i32
            %dma_wait3A_320 = arith.constant 0 : i32
            %dma_wait3A_321 = tpu.memref_slice %arg15[%dma_wait3A_316, %dma_wait3A_319, %dma_wait3A_320] : memref<2x125x128xf32, #tpu.memory_space<vmem>> -> memref<1x125x128xf32, #tpu.memory_space<vmem>>
            %dma_wait3A_322 = tpu.memref_squeeze %dma_wait3A_321 : memref<1x125x128xf32, #tpu.memory_space<vmem>> -> memref<125x128xf32, #tpu.memory_space<vmem>>
            %dma_wait3A_323 = arith.constant 0 : i32
            %dma_wait3A_324 = tpu.memref_slice %arg14[%dma_wait3A_317, %dma_wait3A_318, %dma_wait3A_323] : memref<2x16x125xi32, #tpu.memory_space<vmem>> -> memref<1x1x125xi32, #tpu.memory_space<vmem>>
            %dma_wait3A_325 = tpu.memref_squeeze %dma_wait3A_324 : memref<1x1x125xi32, #tpu.memory_space<vmem>> -> memref<125xi32, #tpu.memory_space<vmem>>
            %dma_wait3A_326 = arith.constant 0 : i32
            %dma_wait3A_327 = arith.constant 0 : i32
            %dma_wait3A_328 = tpu.memref_slice %arg11[%dma_wait3A_326, %dma_wait3A_327] : memref<10000x128xf32, #tpu.memory_space<vmem_shared>> -> memref<10000x128xf32, #tpu.memory_space<vmem_shared>>
            tpu.wait_indirect_dma semaphore(%arg21 : memref<!tpu.dma_semaphore, #tpu.memory_space<semaphore_mem>>) src(%dma_wait3A_322 : memref<125x128xf32, #tpu.memory_space<vmem>>) dst(%dma_wait3A_328 : memref<10000x128xf32, #tpu.memory_space<vmem_shared>>)
            %dma_wait3A_329 = arith.constant 0 : i32
            %dma_wait3A_330 = arith.constant 0 : i32
            %dma_wait3A_331 = arith.constant 0 : i32
            %dma_wait3A_332 = tpu.memref_slice %arg16[%dma_wait3A_331] : memref<128xf32, #tpu.memory_space<vmem>> -> memref<125xf32, #tpu.memory_space<vmem>>
            %dma_wait3A_333 = arith.constant 0 : i32
            %dma_wait3A_334 = tpu.memref_slice %arg14[%dma_wait3A_329, %dma_wait3A_330, %dma_wait3A_333] : memref<2x16x125xi32, #tpu.memory_space<vmem>> -> memref<1x1x125xi32, #tpu.memory_space<vmem>>
            %dma_wait3A_335 = tpu.memref_squeeze %dma_wait3A_334 : memref<1x1x125xi32, #tpu.memory_space<vmem>> -> memref<125xi32, #tpu.memory_space<vmem>>
            %dma_wait3A_336 = arith.constant 0 : i32
            %dma_wait3A_337 = tpu.memref_slice %arg12[%dma_wait3A_336] : memref<10000xf32, #tpu.memory_space<vmem_shared>> -> memref<10000xf32, #tpu.memory_space<vmem_shared>>
            tpu.wait_indirect_dma semaphore(%arg21 : memref<!tpu.dma_semaphore, #tpu.memory_space<semaphore_mem>>) src(%dma_wait3A_332 : memref<125xf32, #tpu.memory_space<vmem>>) dst(%dma_wait3A_337 : memref<10000xf32, #tpu.memory_space<vmem_shared>>)
          } else {
          }
          %mul3A_203 = arith.constant 2 : i32
          %mul3A_204 = arith.muli %mul3A_203, %add3A_197 : i32
          %dma_start3A = arith.constant 0 : i32
          %dma_start3A_205 = arith.constant 0 : i32
          %dma_start3A_206 = arith.constant 0 : i32
          %dma_start3A_207 = tpu.memref_slice %arg15[%dma_start3A, %dma_start3A_205, %dma_start3A_206] : memref<2x125x128xf32, #tpu.memory_space<vmem>> -> memref<1x125x128xf32, #tpu.memory_space<vmem>>
          %dma_start3A_208 = tpu.memref_squeeze %dma_start3A_207 : memref<1x125x128xf32, #tpu.memory_space<vmem>> -> memref<125x128xf32, #tpu.memory_space<vmem>>
          %dma_start3A_209 = arith.constant 0 : i32
          %dma_start3A_210 = tpu.memref_slice %arg13[%rem3A_142, %mul3A_204, %dma_start3A_209] : memref<2x16x125xi32, #tpu.memory_space<vmem>> -> memref<1x1x125xi32, #tpu.memory_space<vmem>>
          %dma_start3A_211 = tpu.memref_squeeze %dma_start3A_210 : memref<1x1x125xi32, #tpu.memory_space<vmem>> -> memref<125xi32, #tpu.memory_space<vmem>>
          %dma_start3A_212 = arith.constant 0 : i32
          %dma_start3A_213 = arith.constant 0 : i32
          %dma_start3A_214 = tpu.memref_slice %arg2[%dma_start3A_212, %dma_start3A_213] : memref<10000x128xf32, #tpu.memory_space<hbm>> -> memref<10000x128xf32, #tpu.memory_space<hbm>>
          tpu.enqueue_indirect_dma source(%dma_start3A_214 : memref<10000x128xf32, #tpu.memory_space<hbm>>) target(%dma_start3A_208 : memref<125x128xf32, #tpu.memory_space<vmem>>) offsets(%dma_start3A_211 : memref<125xi32, #tpu.memory_space<vmem>>) semaphore(%arg18 : memref<!tpu.dma_semaphore, #tpu.memory_space<semaphore_mem>>)
          %mul3A_215 = arith.constant 2 : i32
          %mul3A_216 = arith.muli %mul3A_215, %add3A_197 : i32
          %add3A_217 = arith.constant 1 : i32
          %add3A_218 = arith.addi %mul3A_216, %add3A_217 : i32
          %dma_start3A_219 = arith.constant 1 : i32
          %dma_start3A_220 = arith.constant 0 : i32
          %dma_start3A_221 = arith.constant 0 : i32
          %dma_start3A_222 = tpu.memref_slice %arg15[%dma_start3A_219, %dma_start3A_220, %dma_start3A_221] : memref<2x125x128xf32, #tpu.memory_space<vmem>> -> memref<1x125x128xf32, #tpu.memory_space<vmem>>
          %dma_start3A_223 = tpu.memref_squeeze %dma_start3A_222 : memref<1x125x128xf32, #tpu.memory_space<vmem>> -> memref<125x128xf32, #tpu.memory_space<vmem>>
          %dma_start3A_224 = arith.constant 0 : i32
          %dma_start3A_225 = tpu.memref_slice %arg13[%rem3A_142, %add3A_218, %dma_start3A_224] : memref<2x16x125xi32, #tpu.memory_space<vmem>> -> memref<1x1x125xi32, #tpu.memory_space<vmem>>
          %dma_start3A_226 = tpu.memref_squeeze %dma_start3A_225 : memref<1x1x125xi32, #tpu.memory_space<vmem>> -> memref<125xi32, #tpu.memory_space<vmem>>
          %dma_start3A_227 = arith.constant 0 : i32
          %dma_start3A_228 = arith.constant 0 : i32
          %dma_start3A_229 = tpu.memref_slice %arg2[%dma_start3A_227, %dma_start3A_228] : memref<10000x128xf32, #tpu.memory_space<hbm>> -> memref<10000x128xf32, #tpu.memory_space<hbm>>
          tpu.enqueue_indirect_dma source(%dma_start3A_229 : memref<10000x128xf32, #tpu.memory_space<hbm>>) target(%dma_start3A_223 : memref<125x128xf32, #tpu.memory_space<vmem>>) offsets(%dma_start3A_226 : memref<125xi32, #tpu.memory_space<vmem>>) semaphore(%arg19 : memref<!tpu.dma_semaphore, #tpu.memory_space<semaphore_mem>>)
          %dma_wait3A_230 = arith.constant 0 : i32
          %dma_wait3A_231 = arith.constant 0 : i32
          %dma_wait3A_232 = arith.constant 0 : i32
          %dma_wait3A_233 = tpu.memref_slice %arg15[%dma_wait3A_230, %dma_wait3A_231, %dma_wait3A_232] : memref<2x125x128xf32, #tpu.memory_space<vmem>> -> memref<1x125x128xf32, #tpu.memory_space<vmem>>
          %dma_wait3A_234 = tpu.memref_squeeze %dma_wait3A_233 : memref<1x125x128xf32, #tpu.memory_space<vmem>> -> memref<125x128xf32, #tpu.memory_space<vmem>>
          %dma_wait3A_235 = arith.constant 0 : i32
          %dma_wait3A_236 = tpu.memref_slice %arg13[%rem3A_142, %mul3A_204, %dma_wait3A_235] : memref<2x16x125xi32, #tpu.memory_space<vmem>> -> memref<1x1x125xi32, #tpu.memory_space<vmem>>
          %dma_wait3A_237 = tpu.memref_squeeze %dma_wait3A_236 : memref<1x1x125xi32, #tpu.memory_space<vmem>> -> memref<125xi32, #tpu.memory_space<vmem>>
          %dma_wait3A_238 = arith.constant 0 : i32
          %dma_wait3A_239 = arith.constant 0 : i32
          %dma_wait3A_240 = tpu.memref_slice %arg2[%dma_wait3A_238, %dma_wait3A_239] : memref<10000x128xf32, #tpu.memory_space<hbm>> -> memref<10000x128xf32, #tpu.memory_space<hbm>>
          tpu.wait_indirect_dma semaphore(%arg18 : memref<!tpu.dma_semaphore, #tpu.memory_space<semaphore_mem>>) src(%dma_wait3A_240 : memref<10000x128xf32, #tpu.memory_space<hbm>>) dst(%dma_wait3A_234 : memref<125x128xf32, #tpu.memory_space<vmem>>)
          %mul3A_241 = arith.constant 2 : i32
          %mul3A_242 = arith.muli %mul3A_241, %add3A_197 : i32
          %dma_start3A_243 = arith.constant 0 : i32
          %dma_start3A_244 = arith.constant 0 : i32
          %dma_start3A_245 = arith.constant 0 : i32
          %dma_start3A_246 = tpu.memref_slice %arg15[%dma_start3A_243, %dma_start3A_244, %dma_start3A_245] : memref<2x125x128xf32, #tpu.memory_space<vmem>> -> memref<1x125x128xf32, #tpu.memory_space<vmem>>
          %dma_start3A_247 = tpu.memref_squeeze %dma_start3A_246 : memref<1x125x128xf32, #tpu.memory_space<vmem>> -> memref<125x128xf32, #tpu.memory_space<vmem>>
          %dma_start3A_248 = arith.constant 0 : i32
          %dma_start3A_249 = tpu.memref_slice %arg14[%rem3A_142, %mul3A_242, %dma_start3A_248] : memref<2x16x125xi32, #tpu.memory_space<vmem>> -> memref<1x1x125xi32, #tpu.memory_space<vmem>>
          %dma_start3A_250 = tpu.memref_squeeze %dma_start3A_249 : memref<1x1x125xi32, #tpu.memory_space<vmem>> -> memref<125xi32, #tpu.memory_space<vmem>>
          %dma_start3A_251 = arith.constant 0 : i32
          %dma_start3A_252 = arith.constant 0 : i32
          %dma_start3A_253 = tpu.memref_slice %arg11[%dma_start3A_251, %dma_start3A_252] : memref<10000x128xf32, #tpu.memory_space<vmem_shared>> -> memref<10000x128xf32, #tpu.memory_space<vmem_shared>>
          tpu.enqueue_indirect_dma source(%dma_start3A_247 : memref<125x128xf32, #tpu.memory_space<vmem>>) target(%dma_start3A_253 : memref<10000x128xf32, #tpu.memory_space<vmem_shared>>) offsets(%dma_start3A_250 : memref<125xi32, #tpu.memory_space<vmem>>) semaphore(%arg20 : memref<!tpu.dma_semaphore, #tpu.memory_space<semaphore_mem>>) {add = true}
          %dma_start3A_254 = arith.constant 0 : i32
          %dma_start3A_255 = tpu.memref_slice %arg16[%dma_start3A_254] : memref<128xf32, #tpu.memory_space<vmem>> -> memref<125xf32, #tpu.memory_space<vmem>>
          %dma_start3A_256 = arith.constant 0 : i32
          %dma_start3A_257 = tpu.memref_slice %arg14[%rem3A_142, %mul3A_242, %dma_start3A_256] : memref<2x16x125xi32, #tpu.memory_space<vmem>> -> memref<1x1x125xi32, #tpu.memory_space<vmem>>
          %dma_start3A_258 = tpu.memref_squeeze %dma_start3A_257 : memref<1x1x125xi32, #tpu.memory_space<vmem>> -> memref<125xi32, #tpu.memory_space<vmem>>
          %dma_start3A_259 = arith.constant 0 : i32
          %dma_start3A_260 = tpu.memref_slice %arg12[%dma_start3A_259] : memref<10000xf32, #tpu.memory_space<vmem_shared>> -> memref<10000xf32, #tpu.memory_space<vmem_shared>>
          tpu.enqueue_indirect_dma source(%dma_start3A_255 : memref<125xf32, #tpu.memory_space<vmem>>) target(%dma_start3A_260 : memref<10000xf32, #tpu.memory_space<vmem_shared>>) offsets(%dma_start3A_258 : memref<125xi32, #tpu.memory_space<vmem>>) semaphore(%arg20 : memref<!tpu.dma_semaphore, #tpu.memory_space<semaphore_mem>>) {add = true}
          %dma_wait3A_261 = arith.constant 1 : i32
          %dma_wait3A_262 = arith.constant 0 : i32
          %dma_wait3A_263 = arith.constant 0 : i32
          %dma_wait3A_264 = tpu.memref_slice %arg15[%dma_wait3A_261, %dma_wait3A_262, %dma_wait3A_263] : memref<2x125x128xf32, #tpu.memory_space<vmem>> -> memref<1x125x128xf32, #tpu.memory_space<vmem>>
          %dma_wait3A_265 = tpu.memref_squeeze %dma_wait3A_264 : memref<1x125x128xf32, #tpu.memory_space<vmem>> -> memref<125x128xf32, #tpu.memory_space<vmem>>
          %dma_wait3A_266 = arith.constant 0 : i32
          %dma_wait3A_267 = tpu.memref_slice %arg13[%rem3A_142, %add3A_218, %dma_wait3A_266] : memref<2x16x125xi32, #tpu.memory_space<vmem>> -> memref<1x1x125xi32, #tpu.memory_space<vmem>>
          %dma_wait3A_268 = tpu.memref_squeeze %dma_wait3A_267 : memref<1x1x125xi32, #tpu.memory_space<vmem>> -> memref<125xi32, #tpu.memory_space<vmem>>
          %dma_wait3A_269 = arith.constant 0 : i32
          %dma_wait3A_270 = arith.constant 0 : i32
          %dma_wait3A_271 = tpu.memref_slice %arg2[%dma_wait3A_269, %dma_wait3A_270] : memref<10000x128xf32, #tpu.memory_space<hbm>> -> memref<10000x128xf32, #tpu.memory_space<hbm>>
          tpu.wait_indirect_dma semaphore(%arg19 : memref<!tpu.dma_semaphore, #tpu.memory_space<semaphore_mem>>) src(%dma_wait3A_271 : memref<10000x128xf32, #tpu.memory_space<hbm>>) dst(%dma_wait3A_265 : memref<125x128xf32, #tpu.memory_space<vmem>>)
          %mul3A_272 = arith.constant 2 : i32
          %mul3A_273 = arith.muli %mul3A_272, %add3A_197 : i32
          %add3A_274 = arith.constant 1 : i32
          %add3A_275 = arith.addi %mul3A_273, %add3A_274 : i32
          %dma_start3A_276 = arith.constant 1 : i32
          %dma_start3A_277 = arith.constant 0 : i32
          %dma_start3A_278 = arith.constant 0 : i32
          %dma_start3A_279 = tpu.memref_slice %arg15[%dma_start3A_276, %dma_start3A_277, %dma_start3A_278] : memref<2x125x128xf32, #tpu.memory_space<vmem>> -> memref<1x125x128xf32, #tpu.memory_space<vmem>>
          %dma_start3A_280 = tpu.memref_squeeze %dma_start3A_279 : memref<1x125x128xf32, #tpu.memory_space<vmem>> -> memref<125x128xf32, #tpu.memory_space<vmem>>
          %dma_start3A_281 = arith.constant 0 : i32
          %dma_start3A_282 = tpu.memref_slice %arg14[%rem3A_142, %add3A_275, %dma_start3A_281] : memref<2x16x125xi32, #tpu.memory_space<vmem>> -> memref<1x1x125xi32, #tpu.memory_space<vmem>>
          %dma_start3A_283 = tpu.memref_squeeze %dma_start3A_282 : memref<1x1x125xi32, #tpu.memory_space<vmem>> -> memref<125xi32, #tpu.memory_space<vmem>>
          %dma_start3A_284 = arith.constant 0 : i32
          %dma_start3A_285 = arith.constant 0 : i32
          %dma_start3A_286 = tpu.memref_slice %arg11[%dma_start3A_284, %dma_start3A_285] : memref<10000x128xf32, #tpu.memory_space<vmem_shared>> -> memref<10000x128xf32, #tpu.memory_space<vmem_shared>>
          tpu.enqueue_indirect_dma source(%dma_start3A_280 : memref<125x128xf32, #tpu.memory_space<vmem>>) target(%dma_start3A_286 : memref<10000x128xf32, #tpu.memory_space<vmem_shared>>) offsets(%dma_start3A_283 : memref<125xi32, #tpu.memory_space<vmem>>) semaphore(%arg21 : memref<!tpu.dma_semaphore, #tpu.memory_space<semaphore_mem>>) {add = true}
          %dma_start3A_287 = arith.constant 0 : i32
          %dma_start3A_288 = tpu.memref_slice %arg16[%dma_start3A_287] : memref<128xf32, #tpu.memory_space<vmem>> -> memref<125xf32, #tpu.memory_space<vmem>>
          %dma_start3A_289 = arith.constant 0 : i32
          %dma_start3A_290 = tpu.memref_slice %arg14[%rem3A_142, %add3A_275, %dma_start3A_289] : memref<2x16x125xi32, #tpu.memory_space<vmem>> -> memref<1x1x125xi32, #tpu.memory_space<vmem>>
          %dma_start3A_291 = tpu.memref_squeeze %dma_start3A_290 : memref<1x1x125xi32, #tpu.memory_space<vmem>> -> memref<125xi32, #tpu.memory_space<vmem>>
          %dma_start3A_292 = arith.constant 0 : i32
          %dma_start3A_293 = tpu.memref_slice %arg12[%dma_start3A_292] : memref<10000xf32, #tpu.memory_space<vmem_shared>> -> memref<10000xf32, #tpu.memory_space<vmem_shared>>
          tpu.enqueue_indirect_dma source(%dma_start3A_288 : memref<125xf32, #tpu.memory_space<vmem>>) target(%dma_start3A_293 : memref<10000xf32, #tpu.memory_space<vmem_shared>>) offsets(%dma_start3A_291 : memref<125xi32, #tpu.memory_space<vmem>>) semaphore(%arg21 : memref<!tpu.dma_semaphore, #tpu.memory_space<semaphore_mem>>) {add = true}
        }
        %scan3A_192 = arith.constant 8 : i32
      }
      %scan3A_94 = arith.constant 10 : i32
      %dma_wait3A = arith.constant 0 : i32
      %dma_wait3A_95 = arith.constant 0 : i32
      %dma_wait3A_96 = arith.constant 0 : i32
      %dma_wait3A_97 = arith.constant 0 : i32
      %dma_wait3A_98 = arith.constant 0 : i32
      %dma_wait3A_99 = tpu.memref_slice %arg15[%dma_wait3A, %dma_wait3A_97, %dma_wait3A_98] : memref<2x125x128xf32, #tpu.memory_space<vmem>> -> memref<1x125x128xf32, #tpu.memory_space<vmem>>
      %dma_wait3A_100 = tpu.memref_squeeze %dma_wait3A_99 : memref<1x125x128xf32, #tpu.memory_space<vmem>> -> memref<125x128xf32, #tpu.memory_space<vmem>>
      %dma_wait3A_101 = arith.constant 0 : i32
      %dma_wait3A_102 = tpu.memref_slice %arg14[%dma_wait3A_95, %dma_wait3A_96, %dma_wait3A_101] : memref<2x16x125xi32, #tpu.memory_space<vmem>> -> memref<1x1x125xi32, #tpu.memory_space<vmem>>
      %dma_wait3A_103 = tpu.memref_squeeze %dma_wait3A_102 : memref<1x1x125xi32, #tpu.memory_space<vmem>> -> memref<125xi32, #tpu.memory_space<vmem>>
      %dma_wait3A_104 = arith.constant 0 : i32
      %dma_wait3A_105 = arith.constant 0 : i32
      %dma_wait3A_106 = tpu.memref_slice %arg11[%dma_wait3A_104, %dma_wait3A_105] : memref<10000x128xf32, #tpu.memory_space<vmem_shared>> -> memref<10000x128xf32, #tpu.memory_space<vmem_shared>>
      tpu.wait_indirect_dma semaphore(%arg20 : memref<!tpu.dma_semaphore, #tpu.memory_space<semaphore_mem>>) src(%dma_wait3A_100 : memref<125x128xf32, #tpu.memory_space<vmem>>) dst(%dma_wait3A_106 : memref<10000x128xf32, #tpu.memory_space<vmem_shared>>)
      %dma_wait3A_107 = arith.constant 0 : i32
      %dma_wait3A_108 = arith.constant 0 : i32
      %dma_wait3A_109 = arith.constant 0 : i32
      %dma_wait3A_110 = tpu.memref_slice %arg16[%dma_wait3A_109] : memref<128xf32, #tpu.memory_space<vmem>> -> memref<125xf32, #tpu.memory_space<vmem>>
      %dma_wait3A_111 = arith.constant 0 : i32
      %dma_wait3A_112 = tpu.memref_slice %arg14[%dma_wait3A_107, %dma_wait3A_108, %dma_wait3A_111] : memref<2x16x125xi32, #tpu.memory_space<vmem>> -> memref<1x1x125xi32, #tpu.memory_space<vmem>>
      %dma_wait3A_113 = tpu.memref_squeeze %dma_wait3A_112 : memref<1x1x125xi32, #tpu.memory_space<vmem>> -> memref<125xi32, #tpu.memory_space<vmem>>
      %dma_wait3A_114 = arith.constant 0 : i32
      %dma_wait3A_115 = tpu.memref_slice %arg12[%dma_wait3A_114] : memref<10000xf32, #tpu.memory_space<vmem_shared>> -> memref<10000xf32, #tpu.memory_space<vmem_shared>>
      tpu.wait_indirect_dma semaphore(%arg20 : memref<!tpu.dma_semaphore, #tpu.memory_space<semaphore_mem>>) src(%dma_wait3A_110 : memref<125xf32, #tpu.memory_space<vmem>>) dst(%dma_wait3A_115 : memref<10000xf32, #tpu.memory_space<vmem_shared>>)
      %dma_wait3A_116 = arith.constant 1 : i32
      %dma_wait3A_117 = arith.constant 0 : i32
      %dma_wait3A_118 = arith.constant 0 : i32
      %dma_wait3A_119 = arith.constant 0 : i32
      %dma_wait3A_120 = arith.constant 0 : i32
      %dma_wait3A_121 = tpu.memref_slice %arg15[%dma_wait3A_116, %dma_wait3A_119, %dma_wait3A_120] : memref<2x125x128xf32, #tpu.memory_space<vmem>> -> memref<1x125x128xf32, #tpu.memory_space<vmem>>
      %dma_wait3A_122 = tpu.memref_squeeze %dma_wait3A_121 : memref<1x125x128xf32, #tpu.memory_space<vmem>> -> memref<125x128xf32, #tpu.memory_space<vmem>>
      %dma_wait3A_123 = arith.constant 0 : i32
      %dma_wait3A_124 = tpu.memref_slice %arg14[%dma_wait3A_117, %dma_wait3A_118, %dma_wait3A_123] : memref<2x16x125xi32, #tpu.memory_space<vmem>> -> memref<1x1x125xi32, #tpu.memory_space<vmem>>
      %dma_wait3A_125 = tpu.memref_squeeze %dma_wait3A_124 : memref<1x1x125xi32, #tpu.memory_space<vmem>> -> memref<125xi32, #tpu.memory_space<vmem>>
      %dma_wait3A_126 = arith.constant 0 : i32
      %dma_wait3A_127 = arith.constant 0 : i32
      %dma_wait3A_128 = tpu.memref_slice %arg11[%dma_wait3A_126, %dma_wait3A_127] : memref<10000x128xf32, #tpu.memory_space<vmem_shared>> -> memref<10000x128xf32, #tpu.memory_space<vmem_shared>>
      tpu.wait_indirect_dma semaphore(%arg21 : memref<!tpu.dma_semaphore, #tpu.memory_space<semaphore_mem>>) src(%dma_wait3A_122 : memref<125x128xf32, #tpu.memory_space<vmem>>) dst(%dma_wait3A_128 : memref<10000x128xf32, #tpu.memory_space<vmem_shared>>)
      %dma_wait3A_129 = arith.constant 0 : i32
      %dma_wait3A_130 = arith.constant 0 : i32
      %dma_wait3A_131 = arith.constant 0 : i32
      %dma_wait3A_132 = tpu.memref_slice %arg16[%dma_wait3A_131] : memref<128xf32, #tpu.memory_space<vmem>> -> memref<125xf32, #tpu.memory_space<vmem>>
      %dma_wait3A_133 = arith.constant 0 : i32
      %dma_wait3A_134 = tpu.memref_slice %arg14[%dma_wait3A_129, %dma_wait3A_130, %dma_wait3A_133] : memref<2x16x125xi32, #tpu.memory_space<vmem>> -> memref<1x1x125xi32, #tpu.memory_space<vmem>>
      %dma_wait3A_135 = tpu.memref_squeeze %dma_wait3A_134 : memref<1x1x125xi32, #tpu.memory_space<vmem>> -> memref<125xi32, #tpu.memory_space<vmem>>
      %dma_wait3A_136 = arith.constant 0 : i32
      %dma_wait3A_137 = tpu.memref_slice %arg12[%dma_wait3A_136] : memref<10000xf32, #tpu.memory_space<vmem_shared>> -> memref<10000xf32, #tpu.memory_space<vmem_shared>>
      tpu.wait_indirect_dma semaphore(%arg21 : memref<!tpu.dma_semaphore, #tpu.memory_space<semaphore_mem>>) src(%dma_wait3A_132 : memref<125xf32, #tpu.memory_space<vmem>>) dst(%dma_wait3A_137 : memref<10000xf32, #tpu.memory_space<vmem_shared>>)
    } else {
    }
    %eq3A_74 = arith.constant 1 : i32
    %eq3A_75 = arith.cmpi eq, %arg0, %eq3A_74 : i32
    %convert_element_type3A_76 = arith.extui %eq3A_75 : i1 to i32
    %cond3A_77 = arith.constant 0 : i32
    %cond3A_78 = arith.cmpi ne, %convert_element_type3A_76, %cond3A_77 : i32
    scf.if %cond3A_78 {
      %scan3A_90 = arith.constant 0 : i32
      %scan3A_91 = arith.constant 10 : i32
      %scan3A_92 = arith.addi %scan3A_90, %scan3A_91 : i32
      %scan3A_93 = arith.constant 1 : i32
      scf.for %scan3A_138 = %scan3A_90 to %scan3A_92 step %scan3A_93  : i32 {
        %mul3A_139 = arith.constant 1 : i32
        %mul3A_140 = arith.muli %scan3A_138, %mul3A_139 : i32
        %add3A = arith.constant 0 : i32
        %add3A_141 = arith.addi %add3A, %mul3A_140 : i32
        %rem3A = arith.constant 2 : i32
        %rem3A_142 = arith.remsi %add3A_141, %rem3A : i32
        %gt3A = arith.constant 0 : i32
        %gt3A_143 = arith.cmpi sgt, %add3A_141, %gt3A : i32
        %convert_element_type3A_144 = arith.extui %gt3A_143 : i1 to i32
        %cond3A_145 = arith.constant 0 : i32
        %cond3A_146 = arith.cmpi ne, %convert_element_type3A_144, %cond3A_145 : i32
        scf.if %cond3A_146 {
          %dma_wait3A_193 = arith.constant 0 : i32
          %dma_wait3A_194 = arith.constant 0 : i32
          %dma_wait3A_195 = arith.constant 0 : i32
          %dma_wait3A_196 = arith.constant 0 : i32
          %dma_wait3A_197 = arith.constant 0 : i32
          %dma_wait3A_198 = tpu.memref_slice %arg15[%dma_wait3A_193, %dma_wait3A_196, %dma_wait3A_197] : memref<2x125x128xf32, #tpu.memory_space<vmem>> -> memref<1x125x128xf32, #tpu.memory_space<vmem>>
          %dma_wait3A_199 = tpu.memref_squeeze %dma_wait3A_198 : memref<1x125x128xf32, #tpu.memory_space<vmem>> -> memref<125x128xf32, #tpu.memory_space<vmem>>
          %dma_wait3A_200 = arith.constant 0 : i32
          %dma_wait3A_201 = tpu.memref_slice %arg14[%dma_wait3A_194, %dma_wait3A_195, %dma_wait3A_200] : memref<2x16x125xi32, #tpu.memory_space<vmem>> -> memref<1x1x125xi32, #tpu.memory_space<vmem>>
          %dma_wait3A_202 = tpu.memref_squeeze %dma_wait3A_201 : memref<1x1x125xi32, #tpu.memory_space<vmem>> -> memref<125xi32, #tpu.memory_space<vmem>>
          %dma_wait3A_203 = arith.constant 0 : i32
          %dma_wait3A_204 = arith.constant 0 : i32
          %dma_wait3A_205 = tpu.memref_slice %arg11[%dma_wait3A_203, %dma_wait3A_204] : memref<10000x128xf32, #tpu.memory_space<vmem_shared>> -> memref<10000x128xf32, #tpu.memory_space<vmem_shared>>
          tpu.wait_indirect_dma semaphore(%arg20 : memref<!tpu.dma_semaphore, #tpu.memory_space<semaphore_mem>>) src(%dma_wait3A_199 : memref<125x128xf32, #tpu.memory_space<vmem>>) dst(%dma_wait3A_205 : memref<10000x128xf32, #tpu.memory_space<vmem_shared>>)
          %dma_wait3A_206 = arith.constant 0 : i32
          %dma_wait3A_207 = arith.constant 0 : i32
          %dma_wait3A_208 = arith.constant 0 : i32
          %dma_wait3A_209 = tpu.memref_slice %arg16[%dma_wait3A_208] : memref<128xf32, #tpu.memory_space<vmem>> -> memref<125xf32, #tpu.memory_space<vmem>>
          %dma_wait3A_210 = arith.constant 0 : i32
          %dma_wait3A_211 = tpu.memref_slice %arg14[%dma_wait3A_206, %dma_wait3A_207, %dma_wait3A_210] : memref<2x16x125xi32, #tpu.memory_space<vmem>> -> memref<1x1x125xi32, #tpu.memory_space<vmem>>
          %dma_wait3A_212 = tpu.memref_squeeze %dma_wait3A_211 : memref<1x1x125xi32, #tpu.memory_space<vmem>> -> memref<125xi32, #tpu.memory_space<vmem>>
          %dma_wait3A_213 = arith.constant 0 : i32
          %dma_wait3A_214 = tpu.memref_slice %arg12[%dma_wait3A_213] : memref<10000xf32, #tpu.memory_space<vmem_shared>> -> memref<10000xf32, #tpu.memory_space<vmem_shared>>
          tpu.wait_indirect_dma semaphore(%arg20 : memref<!tpu.dma_semaphore, #tpu.memory_space<semaphore_mem>>) src(%dma_wait3A_209 : memref<125xf32, #tpu.memory_space<vmem>>) dst(%dma_wait3A_214 : memref<10000xf32, #tpu.memory_space<vmem_shared>>)
          %dma_wait3A_215 = arith.constant 1 : i32
          %dma_wait3A_216 = arith.constant 0 : i32
          %dma_wait3A_217 = arith.constant 0 : i32
          %dma_wait3A_218 = arith.constant 0 : i32
          %dma_wait3A_219 = arith.constant 0 : i32
          %dma_wait3A_220 = tpu.memref_slice %arg15[%dma_wait3A_215, %dma_wait3A_218, %dma_wait3A_219] : memref<2x125x128xf32, #tpu.memory_space<vmem>> -> memref<1x125x128xf32, #tpu.memory_space<vmem>>
          %dma_wait3A_221 = tpu.memref_squeeze %dma_wait3A_220 : memref<1x125x128xf32, #tpu.memory_space<vmem>> -> memref<125x128xf32, #tpu.memory_space<vmem>>
          %dma_wait3A_222 = arith.constant 0 : i32
          %dma_wait3A_223 = tpu.memref_slice %arg14[%dma_wait3A_216, %dma_wait3A_217, %dma_wait3A_222] : memref<2x16x125xi32, #tpu.memory_space<vmem>> -> memref<1x1x125xi32, #tpu.memory_space<vmem>>
          %dma_wait3A_224 = tpu.memref_squeeze %dma_wait3A_223 : memref<1x1x125xi32, #tpu.memory_space<vmem>> -> memref<125xi32, #tpu.memory_space<vmem>>
          %dma_wait3A_225 = arith.constant 0 : i32
          %dma_wait3A_226 = arith.constant 0 : i32
          %dma_wait3A_227 = tpu.memref_slice %arg11[%dma_wait3A_225, %dma_wait3A_226] : memref<10000x128xf32, #tpu.memory_space<vmem_shared>> -> memref<10000x128xf32, #tpu.memory_space<vmem_shared>>
          tpu.wait_indirect_dma semaphore(%arg21 : memref<!tpu.dma_semaphore, #tpu.memory_space<semaphore_mem>>) src(%dma_wait3A_221 : memref<125x128xf32, #tpu.memory_space<vmem>>) dst(%dma_wait3A_227 : memref<10000x128xf32, #tpu.memory_space<vmem_shared>>)
          %dma_wait3A_228 = arith.constant 0 : i32
          %dma_wait3A_229 = arith.constant 0 : i32
          %dma_wait3A_230 = arith.constant 0 : i32
          %dma_wait3A_231 = tpu.memref_slice %arg16[%dma_wait3A_230] : memref<128xf32, #tpu.memory_space<vmem>> -> memref<125xf32, #tpu.memory_space<vmem>>
          %dma_wait3A_232 = arith.constant 0 : i32
          %dma_wait3A_233 = tpu.memref_slice %arg14[%dma_wait3A_228, %dma_wait3A_229, %dma_wait3A_232] : memref<2x16x125xi32, #tpu.memory_space<vmem>> -> memref<1x1x125xi32, #tpu.memory_space<vmem>>
          %dma_wait3A_234 = tpu.memref_squeeze %dma_wait3A_233 : memref<1x1x125xi32, #tpu.memory_space<vmem>> -> memref<125xi32, #tpu.memory_space<vmem>>
          %dma_wait3A_235 = arith.constant 0 : i32
          %dma_wait3A_236 = tpu.memref_slice %arg12[%dma_wait3A_235] : memref<10000xf32, #tpu.memory_space<vmem_shared>> -> memref<10000xf32, #tpu.memory_space<vmem_shared>>
          tpu.wait_indirect_dma semaphore(%arg21 : memref<!tpu.dma_semaphore, #tpu.memory_space<semaphore_mem>>) src(%dma_wait3A_231 : memref<125xf32, #tpu.memory_space<vmem>>) dst(%dma_wait3A_236 : memref<10000xf32, #tpu.memory_space<vmem_shared>>)
        } else {
        }
        %dma_wait3A_147 = arith.constant 0 : i32
        %dma_wait3A_148 = arith.constant 0 : i32
        %dma_wait3A_149 = arith.constant 0 : i32
        %dma_wait3A_150 = arith.constant 0 : i32
        %dma_wait3A_151 = tpu.memref_slice %arg13[%rem3A_142, %dma_wait3A_149, %dma_wait3A_150] : memref<2x16x125xi32, #tpu.memory_space<vmem>> -> memref<1x16x125xi32, #tpu.memory_space<vmem>>
        %dma_wait3A_152 = tpu.memref_squeeze %dma_wait3A_151 : memref<1x16x125xi32, #tpu.memory_space<vmem>> -> memref<16x125xi32, #tpu.memory_space<vmem>>
        %dma_wait3A_153 = arith.constant 0 : i32
        %dma_wait3A_154 = arith.constant 0 : i32
        %dma_wait3A_155 = tpu.memref_slice %arg5[%dma_wait3A_147, %dma_wait3A_148, %dma_wait3A_153, %dma_wait3A_154] : memref<2x160x16x125xi32, #tpu.memory_space<hbm>> -> memref<1x1x16x125xi32, #tpu.memory_space<hbm>>
        %dma_wait3A_156 = tpu.memref_squeeze %dma_wait3A_155 : memref<1x1x16x125xi32, #tpu.memory_space<hbm>> -> memref<16x125xi32, #tpu.memory_space<hbm>>
        %dma_wait3A_157 = arith.constant 0 : i32
        %dma_wait3A_158 = arith.constant 0 : i32
        %dma_wait3A_159 = tpu.memref_slice %arg13[%rem3A_142, %dma_wait3A_157, %dma_wait3A_158] : memref<2x16x125xi32, #tpu.memory_space<vmem>> -> memref<1x16x125xi32, #tpu.memory_space<vmem>>
        %dma_wait3A_160 = tpu.memref_squeeze %dma_wait3A_159 : memref<1x16x125xi32, #tpu.memory_space<vmem>> -> memref<16x125xi32, #tpu.memory_space<vmem>>
        %dma_wait3A_161 = arith.constant 0 : i32
        %dma_wait3A_162 = arith.constant 0 : i32
        %dma_wait3A_163 = tpu.memref_slice %arg5[%dma_wait3A_147, %dma_wait3A_148, %dma_wait3A_161, %dma_wait3A_162] : memref<2x160x16x125xi32, #tpu.memory_space<hbm>> -> memref<1x1x16x125xi32, #tpu.memory_space<hbm>>
        %dma_wait3A_164 = tpu.memref_squeeze %dma_wait3A_163 : memref<1x1x16x125xi32, #tpu.memory_space<hbm>> -> memref<16x125xi32, #tpu.memory_space<hbm>>
        tpu.wait_dma2 semaphore(%arg22 : memref<!tpu.dma_semaphore, #tpu.memory_space<semaphore_mem>>) src(%dma_wait3A_164 : memref<16x125xi32, #tpu.memory_space<hbm>>) dst(%dma_wait3A_160 : memref<16x125xi32, #tpu.memory_space<vmem>>)
        %dma_wait3A_165 = arith.constant 1 : i32
        %dma_wait3A_166 = arith.constant 0 : i32
        %dma_wait3A_167 = arith.constant 0 : i32
        %dma_wait3A_168 = arith.constant 0 : i32
        %dma_wait3A_169 = tpu.memref_slice %arg14[%rem3A_142, %dma_wait3A_167, %dma_wait3A_168] : memref<2x16x125xi32, #tpu.memory_space<vmem>> -> memref<1x16x125xi32, #tpu.memory_space<vmem>>
        %dma_wait3A_170 = tpu.memref_squeeze %dma_wait3A_169 : memref<1x16x125xi32, #tpu.memory_space<vmem>> -> memref<16x125xi32, #tpu.memory_space<vmem>>
        %dma_wait3A_171 = arith.constant 0 : i32
        %dma_wait3A_172 = arith.constant 0 : i32
        %dma_wait3A_173 = tpu.memref_slice %arg5[%dma_wait3A_165, %dma_wait3A_166, %dma_wait3A_171, %dma_wait3A_172] : memref<2x160x16x125xi32, #tpu.memory_space<hbm>> -> memref<1x1x16x125xi32, #tpu.memory_space<hbm>>
        %dma_wait3A_174 = tpu.memref_squeeze %dma_wait3A_173 : memref<1x1x16x125xi32, #tpu.memory_space<hbm>> -> memref<16x125xi32, #tpu.memory_space<hbm>>
        %dma_wait3A_175 = arith.constant 0 : i32
        %dma_wait3A_176 = arith.constant 0 : i32
        %dma_wait3A_177 = tpu.memref_slice %arg14[%rem3A_142, %dma_wait3A_175, %dma_wait3A_176] : memref<2x16x125xi32, #tpu.memory_space<vmem>> -> memref<1x16x125xi32, #tpu.memory_space<vmem>>
        %dma_wait3A_178 = tpu.memref_squeeze %dma_wait3A_177 : memref<1x16x125xi32, #tpu.memory_space<vmem>> -> memref<16x125xi32, #tpu.memory_space<vmem>>
        %dma_wait3A_179 = arith.constant 0 : i32
        %dma_wait3A_180 = arith.constant 0 : i32
        %dma_wait3A_181 = tpu.memref_slice %arg5[%dma_wait3A_165, %dma_wait3A_166, %dma_wait3A_179, %dma_wait3A_180] : memref<2x160x16x125xi32, #tpu.memory_space<hbm>> -> memref<1x1x16x125xi32, #tpu.memory_space<hbm>>
        %dma_wait3A_182 = tpu.memref_squeeze %dma_wait3A_181 : memref<1x1x16x125xi32, #tpu.memory_space<hbm>> -> memref<16x125xi32, #tpu.memory_space<hbm>>
        tpu.wait_dma2 semaphore(%arg22 : memref<!tpu.dma_semaphore, #tpu.memory_space<semaphore_mem>>) src(%dma_wait3A_182 : memref<16x125xi32, #tpu.memory_space<hbm>>) dst(%dma_wait3A_178 : memref<16x125xi32, #tpu.memory_space<vmem>>)
        %lt3A_183 = arith.constant 9 : i32
        %lt3A_184 = arith.cmpi slt, %add3A_141, %lt3A_183 : i32
        %convert_element_type3A_185 = arith.extui %lt3A_184 : i1 to i32
        %cond3A_186 = arith.constant 0 : i32
        %cond3A_187 = arith.cmpi ne, %convert_element_type3A_185, %cond3A_186 : i32
        scf.if %cond3A_187 {
          %add3A_193 = arith.constant 1 : i32
          %add3A_194 = arith.addi %add3A_141, %add3A_193 : i32
          %sub3A = arith.constant 1 : i32
          %sub3A_195 = arith.subi %sub3A, %rem3A_142 : i32
          %mul3A_196 = arith.constant 10 : i32
          %mul3A_197 = arith.muli %arg1, %mul3A_196 : i32
          %add3A_198 = arith.addi %mul3A_197, %add3A_194 : i32
          %dma_start3A = arith.constant 0 : i32
          %dma_start3A_199 = arith.constant 0 : i32
          %dma_start3A_200 = arith.constant 0 : i32
          %dma_start3A_201 = tpu.memref_slice %arg13[%sub3A_195, %dma_start3A_199, %dma_start3A_200] : memref<2x16x125xi32, #tpu.memory_space<vmem>> -> memref<1x16x125xi32, #tpu.memory_space<vmem>>
          %dma_start3A_202 = tpu.memref_squeeze %dma_start3A_201 : memref<1x16x125xi32, #tpu.memory_space<vmem>> -> memref<16x125xi32, #tpu.memory_space<vmem>>
          %dma_start3A_203 = arith.constant 0 : i32
          %dma_start3A_204 = arith.constant 0 : i32
          %dma_start3A_205 = tpu.memref_slice %arg5[%dma_start3A, %add3A_198, %dma_start3A_203, %dma_start3A_204] : memref<2x160x16x125xi32, #tpu.memory_space<hbm>> -> memref<1x1x16x125xi32, #tpu.memory_space<hbm>>
          %dma_start3A_206 = tpu.memref_squeeze %dma_start3A_205 : memref<1x1x16x125xi32, #tpu.memory_space<hbm>> -> memref<16x125xi32, #tpu.memory_space<hbm>>
          %dma_start3A_207 = arith.constant 0 : i32
          %dma_start3A_208 = arith.constant 0 : i32
          %dma_start3A_209 = tpu.memref_slice %arg13[%sub3A_195, %dma_start3A_207, %dma_start3A_208] : memref<2x16x125xi32, #tpu.memory_space<vmem>> -> memref<1x16x125xi32, #tpu.memory_space<vmem>>
          %dma_start3A_210 = tpu.memref_squeeze %dma_start3A_209 : memref<1x16x125xi32, #tpu.memory_space<vmem>> -> memref<16x125xi32, #tpu.memory_space<vmem>>
          %dma_start3A_211 = arith.constant 0 : i32
          %dma_start3A_212 = arith.constant 0 : i32
          %dma_start3A_213 = tpu.memref_slice %arg5[%dma_start3A, %add3A_198, %dma_start3A_211, %dma_start3A_212] : memref<2x160x16x125xi32, #tpu.memory_space<hbm>> -> memref<1x1x16x125xi32, #tpu.memory_space<hbm>>
          %dma_start3A_214 = tpu.memref_squeeze %dma_start3A_213 : memref<1x1x16x125xi32, #tpu.memory_space<hbm>> -> memref<16x125xi32, #tpu.memory_space<hbm>>
          tpu.enqueue_dma source(%dma_start3A_214 : memref<16x125xi32, #tpu.memory_space<hbm>>) target(%dma_start3A_210 : memref<16x125xi32, #tpu.memory_space<vmem>>) target_semaphore(%arg22 : memref<!tpu.dma_semaphore, #tpu.memory_space<semaphore_mem>>)
          %dma_start3A_215 = arith.constant 1 : i32
          %dma_start3A_216 = arith.constant 0 : i32
          %dma_start3A_217 = arith.constant 0 : i32
          %dma_start3A_218 = tpu.memref_slice %arg14[%sub3A_195, %dma_start3A_216, %dma_start3A_217] : memref<2x16x125xi32, #tpu.memory_space<vmem>> -> memref<1x16x125xi32, #tpu.memory_space<vmem>>
          %dma_start3A_219 = tpu.memref_squeeze %dma_start3A_218 : memref<1x16x125xi32, #tpu.memory_space<vmem>> -> memref<16x125xi32, #tpu.memory_space<vmem>>
          %dma_start3A_220 = arith.constant 0 : i32
          %dma_start3A_221 = arith.constant 0 : i32
          %dma_start3A_222 = tpu.memref_slice %arg5[%dma_start3A_215, %add3A_198, %dma_start3A_220, %dma_start3A_221] : memref<2x160x16x125xi32, #tpu.memory_space<hbm>> -> memref<1x1x16x125xi32, #tpu.memory_space<hbm>>
          %dma_start3A_223 = tpu.memref_squeeze %dma_start3A_222 : memref<1x1x16x125xi32, #tpu.memory_space<hbm>> -> memref<16x125xi32, #tpu.memory_space<hbm>>
          %dma_start3A_224 = arith.constant 0 : i32
          %dma_start3A_225 = arith.constant 0 : i32
          %dma_start3A_226 = tpu.memref_slice %arg14[%sub3A_195, %dma_start3A_224, %dma_start3A_225] : memref<2x16x125xi32, #tpu.memory_space<vmem>> -> memref<1x16x125xi32, #tpu.memory_space<vmem>>
          %dma_start3A_227 = tpu.memref_squeeze %dma_start3A_226 : memref<1x16x125xi32, #tpu.memory_space<vmem>> -> memref<16x125xi32, #tpu.memory_space<vmem>>
          %dma_start3A_228 = arith.constant 0 : i32
          %dma_start3A_229 = arith.constant 0 : i32
          %dma_start3A_230 = tpu.memref_slice %arg5[%dma_start3A_215, %add3A_198, %dma_start3A_228, %dma_start3A_229] : memref<2x160x16x125xi32, #tpu.memory_space<hbm>> -> memref<1x1x16x125xi32, #tpu.memory_space<hbm>>
          %dma_start3A_231 = tpu.memref_squeeze %dma_start3A_230 : memref<1x1x16x125xi32, #tpu.memory_space<hbm>> -> memref<16x125xi32, #tpu.memory_space<hbm>>
          tpu.enqueue_dma source(%dma_start3A_231 : memref<16x125xi32, #tpu.memory_space<hbm>>) target(%dma_start3A_227 : memref<16x125xi32, #tpu.memory_space<vmem>>) target_semaphore(%arg22 : memref<!tpu.dma_semaphore, #tpu.memory_space<semaphore_mem>>)
        } else {
        }
        %scan3A_188 = arith.constant 0 : i32
        %scan3A_189 = arith.constant 8 : i32
        %scan3A_190 = arith.addi %scan3A_188, %scan3A_189 : i32
        %scan3A_191 = arith.constant 1 : i32
        scf.for %scan3A_193 = %scan3A_188 to %scan3A_190 step %scan3A_191  : i32 {
          %mul3A_194 = arith.constant 1 : i32
          %mul3A_195 = arith.muli %scan3A_193, %mul3A_194 : i32
          %add3A_196 = arith.constant 0 : i32
          %add3A_197 = arith.addi %add3A_196, %mul3A_195 : i32
          %gt3A_198 = arith.constant 0 : i32
          %gt3A_199 = arith.cmpi sgt, %add3A_197, %gt3A_198 : i32
          %convert_element_type3A_200 = arith.extui %gt3A_199 : i1 to i32
          %cond3A_201 = arith.constant 0 : i32
          %cond3A_202 = arith.cmpi ne, %convert_element_type3A_200, %cond3A_201 : i32
          scf.if %cond3A_202 {
            %dma_wait3A_294 = arith.constant 0 : i32
            %dma_wait3A_295 = arith.constant 0 : i32
            %dma_wait3A_296 = arith.constant 0 : i32
            %dma_wait3A_297 = arith.constant 0 : i32
            %dma_wait3A_298 = arith.constant 0 : i32
            %dma_wait3A_299 = tpu.memref_slice %arg15[%dma_wait3A_294, %dma_wait3A_297, %dma_wait3A_298] : memref<2x125x128xf32, #tpu.memory_space<vmem>> -> memref<1x125x128xf32, #tpu.memory_space<vmem>>
            %dma_wait3A_300 = tpu.memref_squeeze %dma_wait3A_299 : memref<1x125x128xf32, #tpu.memory_space<vmem>> -> memref<125x128xf32, #tpu.memory_space<vmem>>
            %dma_wait3A_301 = arith.constant 0 : i32
            %dma_wait3A_302 = tpu.memref_slice %arg14[%dma_wait3A_295, %dma_wait3A_296, %dma_wait3A_301] : memref<2x16x125xi32, #tpu.memory_space<vmem>> -> memref<1x1x125xi32, #tpu.memory_space<vmem>>
            %dma_wait3A_303 = tpu.memref_squeeze %dma_wait3A_302 : memref<1x1x125xi32, #tpu.memory_space<vmem>> -> memref<125xi32, #tpu.memory_space<vmem>>
            %dma_wait3A_304 = arith.constant 0 : i32
            %dma_wait3A_305 = arith.constant 0 : i32
            %dma_wait3A_306 = tpu.memref_slice %arg11[%dma_wait3A_304, %dma_wait3A_305] : memref<10000x128xf32, #tpu.memory_space<vmem_shared>> -> memref<10000x128xf32, #tpu.memory_space<vmem_shared>>
            tpu.wait_indirect_dma semaphore(%arg20 : memref<!tpu.dma_semaphore, #tpu.memory_space<semaphore_mem>>) src(%dma_wait3A_300 : memref<125x128xf32, #tpu.memory_space<vmem>>) dst(%dma_wait3A_306 : memref<10000x128xf32, #tpu.memory_space<vmem_shared>>)
            %dma_wait3A_307 = arith.constant 0 : i32
            %dma_wait3A_308 = arith.constant 0 : i32
            %dma_wait3A_309 = arith.constant 0 : i32
            %dma_wait3A_310 = tpu.memref_slice %arg16[%dma_wait3A_309] : memref<128xf32, #tpu.memory_space<vmem>> -> memref<125xf32, #tpu.memory_space<vmem>>
            %dma_wait3A_311 = arith.constant 0 : i32
            %dma_wait3A_312 = tpu.memref_slice %arg14[%dma_wait3A_307, %dma_wait3A_308, %dma_wait3A_311] : memref<2x16x125xi32, #tpu.memory_space<vmem>> -> memref<1x1x125xi32, #tpu.memory_space<vmem>>
            %dma_wait3A_313 = tpu.memref_squeeze %dma_wait3A_312 : memref<1x1x125xi32, #tpu.memory_space<vmem>> -> memref<125xi32, #tpu.memory_space<vmem>>
            %dma_wait3A_314 = arith.constant 0 : i32
            %dma_wait3A_315 = tpu.memref_slice %arg12[%dma_wait3A_314] : memref<10000xf32, #tpu.memory_space<vmem_shared>> -> memref<10000xf32, #tpu.memory_space<vmem_shared>>
            tpu.wait_indirect_dma semaphore(%arg20 : memref<!tpu.dma_semaphore, #tpu.memory_space<semaphore_mem>>) src(%dma_wait3A_310 : memref<125xf32, #tpu.memory_space<vmem>>) dst(%dma_wait3A_315 : memref<10000xf32, #tpu.memory_space<vmem_shared>>)
            %dma_wait3A_316 = arith.constant 1 : i32
            %dma_wait3A_317 = arith.constant 0 : i32
            %dma_wait3A_318 = arith.constant 0 : i32
            %dma_wait3A_319 = arith.constant 0 : i32
            %dma_wait3A_320 = arith.constant 0 : i32
            %dma_wait3A_321 = tpu.memref_slice %arg15[%dma_wait3A_316, %dma_wait3A_319, %dma_wait3A_320] : memref<2x125x128xf32, #tpu.memory_space<vmem>> -> memref<1x125x128xf32, #tpu.memory_space<vmem>>
            %dma_wait3A_322 = tpu.memref_squeeze %dma_wait3A_321 : memref<1x125x128xf32, #tpu.memory_space<vmem>> -> memref<125x128xf32, #tpu.memory_space<vmem>>
            %dma_wait3A_323 = arith.constant 0 : i32
            %dma_wait3A_324 = tpu.memref_slice %arg14[%dma_wait3A_317, %dma_wait3A_318, %dma_wait3A_323] : memref<2x16x125xi32, #tpu.memory_space<vmem>> -> memref<1x1x125xi32, #tpu.memory_space<vmem>>
            %dma_wait3A_325 = tpu.memref_squeeze %dma_wait3A_324 : memref<1x1x125xi32, #tpu.memory_space<vmem>> -> memref<125xi32, #tpu.memory_space<vmem>>
            %dma_wait3A_326 = arith.constant 0 : i32
            %dma_wait3A_327 = arith.constant 0 : i32
            %dma_wait3A_328 = tpu.memref_slice %arg11[%dma_wait3A_326, %dma_wait3A_327] : memref<10000x128xf32, #tpu.memory_space<vmem_shared>> -> memref<10000x128xf32, #tpu.memory_space<vmem_shared>>
            tpu.wait_indirect_dma semaphore(%arg21 : memref<!tpu.dma_semaphore, #tpu.memory_space<semaphore_mem>>) src(%dma_wait3A_322 : memref<125x128xf32, #tpu.memory_space<vmem>>) dst(%dma_wait3A_328 : memref<10000x128xf32, #tpu.memory_space<vmem_shared>>)
            %dma_wait3A_329 = arith.constant 0 : i32
            %dma_wait3A_330 = arith.constant 0 : i32
            %dma_wait3A_331 = arith.constant 0 : i32
            %dma_wait3A_332 = tpu.memref_slice %arg16[%dma_wait3A_331] : memref<128xf32, #tpu.memory_space<vmem>> -> memref<125xf32, #tpu.memory_space<vmem>>
            %dma_wait3A_333 = arith.constant 0 : i32
            %dma_wait3A_334 = tpu.memref_slice %arg14[%dma_wait3A_329, %dma_wait3A_330, %dma_wait3A_333] : memref<2x16x125xi32, #tpu.memory_space<vmem>> -> memref<1x1x125xi32, #tpu.memory_space<vmem>>
            %dma_wait3A_335 = tpu.memref_squeeze %dma_wait3A_334 : memref<1x1x125xi32, #tpu.memory_space<vmem>> -> memref<125xi32, #tpu.memory_space<vmem>>
            %dma_wait3A_336 = arith.constant 0 : i32
            %dma_wait3A_337 = tpu.memref_slice %arg12[%dma_wait3A_336] : memref<10000xf32, #tpu.memory_space<vmem_shared>> -> memref<10000xf32, #tpu.memory_space<vmem_shared>>
            tpu.wait_indirect_dma semaphore(%arg21 : memref<!tpu.dma_semaphore, #tpu.memory_space<semaphore_mem>>) src(%dma_wait3A_332 : memref<125xf32, #tpu.memory_space<vmem>>) dst(%dma_wait3A_337 : memref<10000xf32, #tpu.memory_space<vmem_shared>>)
          } else {
          }
          %mul3A_203 = arith.constant 2 : i32
          %mul3A_204 = arith.muli %mul3A_203, %add3A_197 : i32
          %dma_start3A = arith.constant 0 : i32
          %dma_start3A_205 = arith.constant 0 : i32
          %dma_start3A_206 = arith.constant 0 : i32
          %dma_start3A_207 = tpu.memref_slice %arg15[%dma_start3A, %dma_start3A_205, %dma_start3A_206] : memref<2x125x128xf32, #tpu.memory_space<vmem>> -> memref<1x125x128xf32, #tpu.memory_space<vmem>>
          %dma_start3A_208 = tpu.memref_squeeze %dma_start3A_207 : memref<1x125x128xf32, #tpu.memory_space<vmem>> -> memref<125x128xf32, #tpu.memory_space<vmem>>
          %dma_start3A_209 = arith.constant 0 : i32
          %dma_start3A_210 = tpu.memref_slice %arg13[%rem3A_142, %mul3A_204, %dma_start3A_209] : memref<2x16x125xi32, #tpu.memory_space<vmem>> -> memref<1x1x125xi32, #tpu.memory_space<vmem>>
          %dma_start3A_211 = tpu.memref_squeeze %dma_start3A_210 : memref<1x1x125xi32, #tpu.memory_space<vmem>> -> memref<125xi32, #tpu.memory_space<vmem>>
          %dma_start3A_212 = arith.constant 0 : i32
          %dma_start3A_213 = arith.constant 0 : i32
          %dma_start3A_214 = tpu.memref_slice %arg3[%dma_start3A_212, %dma_start3A_213] : memref<10000x128xf32, #tpu.memory_space<hbm>> -> memref<10000x128xf32, #tpu.memory_space<hbm>>
          tpu.enqueue_indirect_dma source(%dma_start3A_214 : memref<10000x128xf32, #tpu.memory_space<hbm>>) target(%dma_start3A_208 : memref<125x128xf32, #tpu.memory_space<vmem>>) offsets(%dma_start3A_211 : memref<125xi32, #tpu.memory_space<vmem>>) semaphore(%arg18 : memref<!tpu.dma_semaphore, #tpu.memory_space<semaphore_mem>>)
          %mul3A_215 = arith.constant 2 : i32
          %mul3A_216 = arith.muli %mul3A_215, %add3A_197 : i32
          %add3A_217 = arith.constant 1 : i32
          %add3A_218 = arith.addi %mul3A_216, %add3A_217 : i32
          %dma_start3A_219 = arith.constant 1 : i32
          %dma_start3A_220 = arith.constant 0 : i32
          %dma_start3A_221 = arith.constant 0 : i32
          %dma_start3A_222 = tpu.memref_slice %arg15[%dma_start3A_219, %dma_start3A_220, %dma_start3A_221] : memref<2x125x128xf32, #tpu.memory_space<vmem>> -> memref<1x125x128xf32, #tpu.memory_space<vmem>>
          %dma_start3A_223 = tpu.memref_squeeze %dma_start3A_222 : memref<1x125x128xf32, #tpu.memory_space<vmem>> -> memref<125x128xf32, #tpu.memory_space<vmem>>
          %dma_start3A_224 = arith.constant 0 : i32
          %dma_start3A_225 = tpu.memref_slice %arg13[%rem3A_142, %add3A_218, %dma_start3A_224] : memref<2x16x125xi32, #tpu.memory_space<vmem>> -> memref<1x1x125xi32, #tpu.memory_space<vmem>>
          %dma_start3A_226 = tpu.memref_squeeze %dma_start3A_225 : memref<1x1x125xi32, #tpu.memory_space<vmem>> -> memref<125xi32, #tpu.memory_space<vmem>>
          %dma_start3A_227 = arith.constant 0 : i32
          %dma_start3A_228 = arith.constant 0 : i32
          %dma_start3A_229 = tpu.memref_slice %arg3[%dma_start3A_227, %dma_start3A_228] : memref<10000x128xf32, #tpu.memory_space<hbm>> -> memref<10000x128xf32, #tpu.memory_space<hbm>>
          tpu.enqueue_indirect_dma source(%dma_start3A_229 : memref<10000x128xf32, #tpu.memory_space<hbm>>) target(%dma_start3A_223 : memref<125x128xf32, #tpu.memory_space<vmem>>) offsets(%dma_start3A_226 : memref<125xi32, #tpu.memory_space<vmem>>) semaphore(%arg19 : memref<!tpu.dma_semaphore, #tpu.memory_space<semaphore_mem>>)
          %dma_wait3A_230 = arith.constant 0 : i32
          %dma_wait3A_231 = arith.constant 0 : i32
          %dma_wait3A_232 = arith.constant 0 : i32
          %dma_wait3A_233 = tpu.memref_slice %arg15[%dma_wait3A_230, %dma_wait3A_231, %dma_wait3A_232] : memref<2x125x128xf32, #tpu.memory_space<vmem>> -> memref<1x125x128xf32, #tpu.memory_space<vmem>>
          %dma_wait3A_234 = tpu.memref_squeeze %dma_wait3A_233 : memref<1x125x128xf32, #tpu.memory_space<vmem>> -> memref<125x128xf32, #tpu.memory_space<vmem>>
          %dma_wait3A_235 = arith.constant 0 : i32
          %dma_wait3A_236 = tpu.memref_slice %arg13[%rem3A_142, %mul3A_204, %dma_wait3A_235] : memref<2x16x125xi32, #tpu.memory_space<vmem>> -> memref<1x1x125xi32, #tpu.memory_space<vmem>>
          %dma_wait3A_237 = tpu.memref_squeeze %dma_wait3A_236 : memref<1x1x125xi32, #tpu.memory_space<vmem>> -> memref<125xi32, #tpu.memory_space<vmem>>
          %dma_wait3A_238 = arith.constant 0 : i32
          %dma_wait3A_239 = arith.constant 0 : i32
          %dma_wait3A_240 = tpu.memref_slice %arg3[%dma_wait3A_238, %dma_wait3A_239] : memref<10000x128xf32, #tpu.memory_space<hbm>> -> memref<10000x128xf32, #tpu.memory_space<hbm>>
          tpu.wait_indirect_dma semaphore(%arg18 : memref<!tpu.dma_semaphore, #tpu.memory_space<semaphore_mem>>) src(%dma_wait3A_240 : memref<10000x128xf32, #tpu.memory_space<hbm>>) dst(%dma_wait3A_234 : memref<125x128xf32, #tpu.memory_space<vmem>>)
          %mul3A_241 = arith.constant 2 : i32
          %mul3A_242 = arith.muli %mul3A_241, %add3A_197 : i32
          %dma_start3A_243 = arith.constant 0 : i32
          %dma_start3A_244 = arith.constant 0 : i32
          %dma_start3A_245 = arith.constant 0 : i32
          %dma_start3A_246 = tpu.memref_slice %arg15[%dma_start3A_243, %dma_start3A_244, %dma_start3A_245] : memref<2x125x128xf32, #tpu.memory_space<vmem>> -> memref<1x125x128xf32, #tpu.memory_space<vmem>>
          %dma_start3A_247 = tpu.memref_squeeze %dma_start3A_246 : memref<1x125x128xf32, #tpu.memory_space<vmem>> -> memref<125x128xf32, #tpu.memory_space<vmem>>
          %dma_start3A_248 = arith.constant 0 : i32
          %dma_start3A_249 = tpu.memref_slice %arg14[%rem3A_142, %mul3A_242, %dma_start3A_248] : memref<2x16x125xi32, #tpu.memory_space<vmem>> -> memref<1x1x125xi32, #tpu.memory_space<vmem>>
          %dma_start3A_250 = tpu.memref_squeeze %dma_start3A_249 : memref<1x1x125xi32, #tpu.memory_space<vmem>> -> memref<125xi32, #tpu.memory_space<vmem>>
          %dma_start3A_251 = arith.constant 0 : i32
          %dma_start3A_252 = arith.constant 0 : i32
          %dma_start3A_253 = tpu.memref_slice %arg11[%dma_start3A_251, %dma_start3A_252] : memref<10000x128xf32, #tpu.memory_space<vmem_shared>> -> memref<10000x128xf32, #tpu.memory_space<vmem_shared>>
          tpu.enqueue_indirect_dma source(%dma_start3A_247 : memref<125x128xf32, #tpu.memory_space<vmem>>) target(%dma_start3A_253 : memref<10000x128xf32, #tpu.memory_space<vmem_shared>>) offsets(%dma_start3A_250 : memref<125xi32, #tpu.memory_space<vmem>>) semaphore(%arg20 : memref<!tpu.dma_semaphore, #tpu.memory_space<semaphore_mem>>) {add = true}
          %dma_start3A_254 = arith.constant 0 : i32
          %dma_start3A_255 = tpu.memref_slice %arg16[%dma_start3A_254] : memref<128xf32, #tpu.memory_space<vmem>> -> memref<125xf32, #tpu.memory_space<vmem>>
          %dma_start3A_256 = arith.constant 0 : i32
          %dma_start3A_257 = tpu.memref_slice %arg14[%rem3A_142, %mul3A_242, %dma_start3A_256] : memref<2x16x125xi32, #tpu.memory_space<vmem>> -> memref<1x1x125xi32, #tpu.memory_space<vmem>>
          %dma_start3A_258 = tpu.memref_squeeze %dma_start3A_257 : memref<1x1x125xi32, #tpu.memory_space<vmem>> -> memref<125xi32, #tpu.memory_space<vmem>>
          %dma_start3A_259 = arith.constant 0 : i32
          %dma_start3A_260 = tpu.memref_slice %arg12[%dma_start3A_259] : memref<10000xf32, #tpu.memory_space<vmem_shared>> -> memref<10000xf32, #tpu.memory_space<vmem_shared>>
          tpu.enqueue_indirect_dma source(%dma_start3A_255 : memref<125xf32, #tpu.memory_space<vmem>>) target(%dma_start3A_260 : memref<10000xf32, #tpu.memory_space<vmem_shared>>) offsets(%dma_start3A_258 : memref<125xi32, #tpu.memory_space<vmem>>) semaphore(%arg20 : memref<!tpu.dma_semaphore, #tpu.memory_space<semaphore_mem>>) {add = true}
          %dma_wait3A_261 = arith.constant 1 : i32
          %dma_wait3A_262 = arith.constant 0 : i32
          %dma_wait3A_263 = arith.constant 0 : i32
          %dma_wait3A_264 = tpu.memref_slice %arg15[%dma_wait3A_261, %dma_wait3A_262, %dma_wait3A_263] : memref<2x125x128xf32, #tpu.memory_space<vmem>> -> memref<1x125x128xf32, #tpu.memory_space<vmem>>
          %dma_wait3A_265 = tpu.memref_squeeze %dma_wait3A_264 : memref<1x125x128xf32, #tpu.memory_space<vmem>> -> memref<125x128xf32, #tpu.memory_space<vmem>>
          %dma_wait3A_266 = arith.constant 0 : i32
          %dma_wait3A_267 = tpu.memref_slice %arg13[%rem3A_142, %add3A_218, %dma_wait3A_266] : memref<2x16x125xi32, #tpu.memory_space<vmem>> -> memref<1x1x125xi32, #tpu.memory_space<vmem>>
          %dma_wait3A_268 = tpu.memref_squeeze %dma_wait3A_267 : memref<1x1x125xi32, #tpu.memory_space<vmem>> -> memref<125xi32, #tpu.memory_space<vmem>>
          %dma_wait3A_269 = arith.constant 0 : i32
          %dma_wait3A_270 = arith.constant 0 : i32
          %dma_wait3A_271 = tpu.memref_slice %arg3[%dma_wait3A_269, %dma_wait3A_270] : memref<10000x128xf32, #tpu.memory_space<hbm>> -> memref<10000x128xf32, #tpu.memory_space<hbm>>
          tpu.wait_indirect_dma semaphore(%arg19 : memref<!tpu.dma_semaphore, #tpu.memory_space<semaphore_mem>>) src(%dma_wait3A_271 : memref<10000x128xf32, #tpu.memory_space<hbm>>) dst(%dma_wait3A_265 : memref<125x128xf32, #tpu.memory_space<vmem>>)
          %mul3A_272 = arith.constant 2 : i32
          %mul3A_273 = arith.muli %mul3A_272, %add3A_197 : i32
          %add3A_274 = arith.constant 1 : i32
          %add3A_275 = arith.addi %mul3A_273, %add3A_274 : i32
          %dma_start3A_276 = arith.constant 1 : i32
          %dma_start3A_277 = arith.constant 0 : i32
          %dma_start3A_278 = arith.constant 0 : i32
          %dma_start3A_279 = tpu.memref_slice %arg15[%dma_start3A_276, %dma_start3A_277, %dma_start3A_278] : memref<2x125x128xf32, #tpu.memory_space<vmem>> -> memref<1x125x128xf32, #tpu.memory_space<vmem>>
          %dma_start3A_280 = tpu.memref_squeeze %dma_start3A_279 : memref<1x125x128xf32, #tpu.memory_space<vmem>> -> memref<125x128xf32, #tpu.memory_space<vmem>>
          %dma_start3A_281 = arith.constant 0 : i32
          %dma_start3A_282 = tpu.memref_slice %arg14[%rem3A_142, %add3A_275, %dma_start3A_281] : memref<2x16x125xi32, #tpu.memory_space<vmem>> -> memref<1x1x125xi32, #tpu.memory_space<vmem>>
          %dma_start3A_283 = tpu.memref_squeeze %dma_start3A_282 : memref<1x1x125xi32, #tpu.memory_space<vmem>> -> memref<125xi32, #tpu.memory_space<vmem>>
          %dma_start3A_284 = arith.constant 0 : i32
          %dma_start3A_285 = arith.constant 0 : i32
          %dma_start3A_286 = tpu.memref_slice %arg11[%dma_start3A_284, %dma_start3A_285] : memref<10000x128xf32, #tpu.memory_space<vmem_shared>> -> memref<10000x128xf32, #tpu.memory_space<vmem_shared>>
          tpu.enqueue_indirect_dma source(%dma_start3A_280 : memref<125x128xf32, #tpu.memory_space<vmem>>) target(%dma_start3A_286 : memref<10000x128xf32, #tpu.memory_space<vmem_shared>>) offsets(%dma_start3A_283 : memref<125xi32, #tpu.memory_space<vmem>>) semaphore(%arg21 : memref<!tpu.dma_semaphore, #tpu.memory_space<semaphore_mem>>) {add = true}
          %dma_start3A_287 = arith.constant 0 : i32
          %dma_start3A_288 = tpu.memref_slice %arg16[%dma_start3A_287] : memref<128xf32, #tpu.memory_space<vmem>> -> memref<125xf32, #tpu.memory_space<vmem>>
          %dma_start3A_289 = arith.constant 0 : i32
          %dma_start3A_290 = tpu.memref_slice %arg14[%rem3A_142, %add3A_275, %dma_start3A_289] : memref<2x16x125xi32, #tpu.memory_space<vmem>> -> memref<1x1x125xi32, #tpu.memory_space<vmem>>
          %dma_start3A_291 = tpu.memref_squeeze %dma_start3A_290 : memref<1x1x125xi32, #tpu.memory_space<vmem>> -> memref<125xi32, #tpu.memory_space<vmem>>
          %dma_start3A_292 = arith.constant 0 : i32
          %dma_start3A_293 = tpu.memref_slice %arg12[%dma_start3A_292] : memref<10000xf32, #tpu.memory_space<vmem_shared>> -> memref<10000xf32, #tpu.memory_space<vmem_shared>>
          tpu.enqueue_indirect_dma source(%dma_start3A_288 : memref<125xf32, #tpu.memory_space<vmem>>) target(%dma_start3A_293 : memref<10000xf32, #tpu.memory_space<vmem_shared>>) offsets(%dma_start3A_291 : memref<125xi32, #tpu.memory_space<vmem>>) semaphore(%arg21 : memref<!tpu.dma_semaphore, #tpu.memory_space<semaphore_mem>>) {add = true}
        }
        %scan3A_192 = arith.constant 8 : i32
      }
      %scan3A_94 = arith.constant 10 : i32
      %dma_wait3A = arith.constant 0 : i32
      %dma_wait3A_95 = arith.constant 0 : i32
      %dma_wait3A_96 = arith.constant 0 : i32
      %dma_wait3A_97 = arith.constant 0 : i32
      %dma_wait3A_98 = arith.constant 0 : i32
      %dma_wait3A_99 = tpu.memref_slice %arg15[%dma_wait3A, %dma_wait3A_97, %dma_wait3A_98] : memref<2x125x128xf32, #tpu.memory_space<vmem>> -> memref<1x125x128xf32, #tpu.memory_space<vmem>>
      %dma_wait3A_100 = tpu.memref_squeeze %dma_wait3A_99 : memref<1x125x128xf32, #tpu.memory_space<vmem>> -> memref<125x128xf32, #tpu.memory_space<vmem>>
      %dma_wait3A_101 = arith.constant 0 : i32
      %dma_wait3A_102 = tpu.memref_slice %arg14[%dma_wait3A_95, %dma_wait3A_96, %dma_wait3A_101] : memref<2x16x125xi32, #tpu.memory_space<vmem>> -> memref<1x1x125xi32, #tpu.memory_space<vmem>>
      %dma_wait3A_103 = tpu.memref_squeeze %dma_wait3A_102 : memref<1x1x125xi32, #tpu.memory_space<vmem>> -> memref<125xi32, #tpu.memory_space<vmem>>
      %dma_wait3A_104 = arith.constant 0 : i32
      %dma_wait3A_105 = arith.constant 0 : i32
      %dma_wait3A_106 = tpu.memref_slice %arg11[%dma_wait3A_104, %dma_wait3A_105] : memref<10000x128xf32, #tpu.memory_space<vmem_shared>> -> memref<10000x128xf32, #tpu.memory_space<vmem_shared>>
      tpu.wait_indirect_dma semaphore(%arg20 : memref<!tpu.dma_semaphore, #tpu.memory_space<semaphore_mem>>) src(%dma_wait3A_100 : memref<125x128xf32, #tpu.memory_space<vmem>>) dst(%dma_wait3A_106 : memref<10000x128xf32, #tpu.memory_space<vmem_shared>>)
      %dma_wait3A_107 = arith.constant 0 : i32
      %dma_wait3A_108 = arith.constant 0 : i32
      %dma_wait3A_109 = arith.constant 0 : i32
      %dma_wait3A_110 = tpu.memref_slice %arg16[%dma_wait3A_109] : memref<128xf32, #tpu.memory_space<vmem>> -> memref<125xf32, #tpu.memory_space<vmem>>
      %dma_wait3A_111 = arith.constant 0 : i32
      %dma_wait3A_112 = tpu.memref_slice %arg14[%dma_wait3A_107, %dma_wait3A_108, %dma_wait3A_111] : memref<2x16x125xi32, #tpu.memory_space<vmem>> -> memref<1x1x125xi32, #tpu.memory_space<vmem>>
      %dma_wait3A_113 = tpu.memref_squeeze %dma_wait3A_112 : memref<1x1x125xi32, #tpu.memory_space<vmem>> -> memref<125xi32, #tpu.memory_space<vmem>>
      %dma_wait3A_114 = arith.constant 0 : i32
      %dma_wait3A_115 = tpu.memref_slice %arg12[%dma_wait3A_114] : memref<10000xf32, #tpu.memory_space<vmem_shared>> -> memref<10000xf32, #tpu.memory_space<vmem_shared>>
      tpu.wait_indirect_dma semaphore(%arg20 : memref<!tpu.dma_semaphore, #tpu.memory_space<semaphore_mem>>) src(%dma_wait3A_110 : memref<125xf32, #tpu.memory_space<vmem>>) dst(%dma_wait3A_115 : memref<10000xf32, #tpu.memory_space<vmem_shared>>)
      %dma_wait3A_116 = arith.constant 1 : i32
      %dma_wait3A_117 = arith.constant 0 : i32
      %dma_wait3A_118 = arith.constant 0 : i32
      %dma_wait3A_119 = arith.constant 0 : i32
      %dma_wait3A_120 = arith.constant 0 : i32
      %dma_wait3A_121 = tpu.memref_slice %arg15[%dma_wait3A_116, %dma_wait3A_119, %dma_wait3A_120] : memref<2x125x128xf32, #tpu.memory_space<vmem>> -> memref<1x125x128xf32, #tpu.memory_space<vmem>>
      %dma_wait3A_122 = tpu.memref_squeeze %dma_wait3A_121 : memref<1x125x128xf32, #tpu.memory_space<vmem>> -> memref<125x128xf32, #tpu.memory_space<vmem>>
      %dma_wait3A_123 = arith.constant 0 : i32
      %dma_wait3A_124 = tpu.memref_slice %arg14[%dma_wait3A_117, %dma_wait3A_118, %dma_wait3A_123] : memref<2x16x125xi32, #tpu.memory_space<vmem>> -> memref<1x1x125xi32, #tpu.memory_space<vmem>>
      %dma_wait3A_125 = tpu.memref_squeeze %dma_wait3A_124 : memref<1x1x125xi32, #tpu.memory_space<vmem>> -> memref<125xi32, #tpu.memory_space<vmem>>
      %dma_wait3A_126 = arith.constant 0 : i32
      %dma_wait3A_127 = arith.constant 0 : i32
      %dma_wait3A_128 = tpu.memref_slice %arg11[%dma_wait3A_126, %dma_wait3A_127] : memref<10000x128xf32, #tpu.memory_space<vmem_shared>> -> memref<10000x128xf32, #tpu.memory_space<vmem_shared>>
      tpu.wait_indirect_dma semaphore(%arg21 : memref<!tpu.dma_semaphore, #tpu.memory_space<semaphore_mem>>) src(%dma_wait3A_122 : memref<125x128xf32, #tpu.memory_space<vmem>>) dst(%dma_wait3A_128 : memref<10000x128xf32, #tpu.memory_space<vmem_shared>>)
      %dma_wait3A_129 = arith.constant 0 : i32
      %dma_wait3A_130 = arith.constant 0 : i32
      %dma_wait3A_131 = arith.constant 0 : i32
      %dma_wait3A_132 = tpu.memref_slice %arg16[%dma_wait3A_131] : memref<128xf32, #tpu.memory_space<vmem>> -> memref<125xf32, #tpu.memory_space<vmem>>
      %dma_wait3A_133 = arith.constant 0 : i32
      %dma_wait3A_134 = tpu.memref_slice %arg14[%dma_wait3A_129, %dma_wait3A_130, %dma_wait3A_133] : memref<2x16x125xi32, #tpu.memory_space<vmem>> -> memref<1x1x125xi32, #tpu.memory_space<vmem>>
      %dma_wait3A_135 = tpu.memref_squeeze %dma_wait3A_134 : memref<1x1x125xi32, #tpu.memory_space<vmem>> -> memref<125xi32, #tpu.memory_space<vmem>>
      %dma_wait3A_136 = arith.constant 0 : i32
      %dma_wait3A_137 = tpu.memref_slice %arg12[%dma_wait3A_136] : memref<10000xf32, #tpu.memory_space<vmem_shared>> -> memref<10000xf32, #tpu.memory_space<vmem_shared>>
      tpu.wait_indirect_dma semaphore(%arg21 : memref<!tpu.dma_semaphore, #tpu.memory_space<semaphore_mem>>) src(%dma_wait3A_132 : memref<125xf32, #tpu.memory_space<vmem>>) dst(%dma_wait3A_137 : memref<10000xf32, #tpu.memory_space<vmem_shared>>)
    } else {
    }
    %barrier3A_79 = arith.constant 0 : index
    tpu.barrier barrier_id(%barrier3A_79)
    %eq3A_80 = arith.constant 0 : i32
    %eq3A_81 = arith.cmpi eq, %arg0, %eq3A_80 : i32
    %convert_element_type3A_82 = arith.extui %eq3A_81 : i1 to i32
    %cond3A_83 = arith.constant 0 : i32
    %cond3A_84 = arith.cmpi ne, %convert_element_type3A_82, %cond3A_83 : i32
    scf.if %cond3A_84 {
      %mul3A_90 = arith.constant 624 : i32
      %mul3A_91 = arith.muli %arg1, %mul3A_90 : i32
      %mul3A_92 = arith.constant 624 : i32
      %mul3A_93 = arith.muli %arg1, %mul3A_92 : i32
      "tpu.region"() ({
        %run_scoped3A = tpu.sem_alloc : memref<!tpu.dma_semaphore, #tpu.memory_space<semaphore_mem>>
        %dma_start3A = arith.constant 0 : i32
        %dma_start3A_104 = tpu.memref_slice %arg7[%mul3A_93, %dma_start3A] : memref<10000x128xf32, #tpu.memory_space<hbm>> -> memref<624x128xf32, #tpu.memory_space<hbm>>
        %dma_start3A_105 = arith.constant 0 : i32
        %dma_start3A_106 = tpu.memref_slice %arg11[%mul3A_91, %dma_start3A_105] : memref<10000x128xf32, #tpu.memory_space<vmem_shared>> -> memref<624x128xf32, #tpu.memory_space<vmem_shared>>
        tpu.enqueue_dma source(%dma_start3A_106 : memref<624x128xf32, #tpu.memory_space<vmem_shared>>) target(%dma_start3A_104 : memref<624x128xf32, #tpu.memory_space<hbm>>) target_semaphore(%run_scoped3A : memref<!tpu.dma_semaphore, #tpu.memory_space<semaphore_mem>>)
        %dma_wait3A = arith.constant 0 : i32
        %dma_wait3A_107 = tpu.memref_slice %arg7[%mul3A_93, %dma_wait3A] : memref<10000x128xf32, #tpu.memory_space<hbm>> -> memref<624x128xf32, #tpu.memory_space<hbm>>
        %dma_wait3A_108 = arith.constant 0 : i32
        %dma_wait3A_109 = tpu.memref_slice %arg11[%mul3A_91, %dma_wait3A_108] : memref<10000x128xf32, #tpu.memory_space<vmem_shared>> -> memref<624x128xf32, #tpu.memory_space<vmem_shared>>
        tpu.wait_dma2 semaphore(%run_scoped3A : memref<!tpu.dma_semaphore, #tpu.memory_space<semaphore_mem>>) src(%dma_wait3A_109 : memref<624x128xf32, #tpu.memory_space<vmem_shared>>) dst(%dma_wait3A_107 : memref<624x128xf32, #tpu.memory_space<hbm>>)
        tpu.yield
      }) : () -> ()
      %eq3A_94 = arith.constant 0 : i32
      %eq3A_95 = arith.cmpi eq, %arg1, %eq3A_94 : i32
      %convert_element_type3A_96 = arith.extui %eq3A_95 : i1 to i32
      %cond3A_97 = arith.constant 0 : i32
      %cond3A_98 = arith.cmpi ne, %convert_element_type3A_96, %cond3A_97 : i32
      scf.if %cond3A_98 {
        "tpu.region"() ({
          %run_scoped3A = tpu.sem_alloc : memref<!tpu.dma_semaphore, #tpu.memory_space<semaphore_mem>>
          %dma_start3A = arith.constant 9984 : i32
          %dma_start3A_104 = arith.constant 0 : i32
          %dma_start3A_105 = tpu.memref_slice %arg7[%dma_start3A, %dma_start3A_104] : memref<10000x128xf32, #tpu.memory_space<hbm>> -> memref<16x128xf32, #tpu.memory_space<hbm>>
          %dma_start3A_106 = arith.constant 9984 : i32
          %dma_start3A_107 = arith.constant 0 : i32
          %dma_start3A_108 = tpu.memref_slice %arg11[%dma_start3A_106, %dma_start3A_107] : memref<10000x128xf32, #tpu.memory_space<vmem_shared>> -> memref<16x128xf32, #tpu.memory_space<vmem_shared>>
          tpu.enqueue_dma source(%dma_start3A_108 : memref<16x128xf32, #tpu.memory_space<vmem_shared>>) target(%dma_start3A_105 : memref<16x128xf32, #tpu.memory_space<hbm>>) target_semaphore(%run_scoped3A : memref<!tpu.dma_semaphore, #tpu.memory_space<semaphore_mem>>)
          %dma_wait3A = arith.constant 9984 : i32
          %dma_wait3A_109 = arith.constant 0 : i32
          %dma_wait3A_110 = tpu.memref_slice %arg7[%dma_wait3A, %dma_wait3A_109] : memref<10000x128xf32, #tpu.memory_space<hbm>> -> memref<16x128xf32, #tpu.memory_space<hbm>>
          %dma_wait3A_111 = arith.constant 9984 : i32
          %dma_wait3A_112 = arith.constant 0 : i32
          %dma_wait3A_113 = tpu.memref_slice %arg11[%dma_wait3A_111, %dma_wait3A_112] : memref<10000x128xf32, #tpu.memory_space<vmem_shared>> -> memref<16x128xf32, #tpu.memory_space<vmem_shared>>
          tpu.wait_dma2 semaphore(%run_scoped3A : memref<!tpu.dma_semaphore, #tpu.memory_space<semaphore_mem>>) src(%dma_wait3A_113 : memref<16x128xf32, #tpu.memory_space<vmem_shared>>) dst(%dma_wait3A_110 : memref<16x128xf32, #tpu.memory_space<hbm>>)
          tpu.yield
        }) : () -> ()
      } else {
      }
      %lt3A_99 = arith.constant 5 : i32
      %lt3A_100 = arith.cmpi slt, %arg1, %lt3A_99 : i32
      %convert_element_type3A_101 = arith.extui %lt3A_100 : i1 to i32
      %cond3A_102 = arith.constant 0 : i32
      %cond3A_103 = arith.cmpi ne, %convert_element_type3A_101, %cond3A_102 : i32
      scf.if %cond3A_103 {
        %mul3A_104 = arith.constant 2000 : i32
        %mul3A_105 = arith.muli %arg1, %mul3A_104 : i32
        "tpu.region"() ({
          %run_scoped3A = tpu.sem_alloc : memref<!tpu.dma_semaphore, #tpu.memory_space<semaphore_mem>>
          %dma_start3A = tpu.memref_slice %arg12[%mul3A_105] : memref<10000xf32, #tpu.memory_space<vmem_shared>> -> memref<2000xf32, #tpu.memory_space<vmem_shared>>
          %dma_start3A_108 = tpu.memref_slice %arg12[%mul3A_105] : memref<10000xf32, #tpu.memory_space<vmem_shared>> -> memref<2000xf32, #tpu.memory_space<vmem_shared>>
          tpu.enqueue_dma source(%dma_start3A_108 : memref<2000xf32, #tpu.memory_space<vmem_shared>>) target(%arg17 : memref<2000xf32, #tpu.memory_space<vmem>>) target_semaphore(%run_scoped3A : memref<!tpu.dma_semaphore, #tpu.memory_space<semaphore_mem>>)
          %dma_wait3A = tpu.memref_slice %arg12[%mul3A_105] : memref<10000xf32, #tpu.memory_space<vmem_shared>> -> memref<2000xf32, #tpu.memory_space<vmem_shared>>
          %dma_wait3A_109 = tpu.memref_slice %arg12[%mul3A_105] : memref<10000xf32, #tpu.memory_space<vmem_shared>> -> memref<2000xf32, #tpu.memory_space<vmem_shared>>
          tpu.wait_dma2 semaphore(%run_scoped3A : memref<!tpu.dma_semaphore, #tpu.memory_space<semaphore_mem>>) src(%dma_wait3A_109 : memref<2000xf32, #tpu.memory_space<vmem_shared>>) dst(%arg17 : memref<2000xf32, #tpu.memory_space<vmem>>)
          tpu.yield
        }) : () -> ()
        %mul3A_106 = arith.constant 2000 : i32
        %mul3A_107 = arith.muli %arg1, %mul3A_106 : i32
        "tpu.region"() ({
          %run_scoped3A = tpu.sem_alloc : memref<!tpu.dma_semaphore, #tpu.memory_space<semaphore_mem>>
          %dma_start3A = tpu.memref_slice %arg8[%mul3A_107] : memref<10000xf32, #tpu.memory_space<hbm>> -> memref<2000xf32, #tpu.memory_space<hbm>>
          %dma_start3A_108 = tpu.memref_slice %arg8[%mul3A_107] : memref<10000xf32, #tpu.memory_space<hbm>> -> memref<2000xf32, #tpu.memory_space<hbm>>
          tpu.enqueue_dma source(%arg17 : memref<2000xf32, #tpu.memory_space<vmem>>) target(%dma_start3A_108 : memref<2000xf32, #tpu.memory_space<hbm>>) target_semaphore(%run_scoped3A : memref<!tpu.dma_semaphore, #tpu.memory_space<semaphore_mem>>)
          %dma_wait3A = tpu.memref_slice %arg8[%mul3A_107] : memref<10000xf32, #tpu.memory_space<hbm>> -> memref<2000xf32, #tpu.memory_space<hbm>>
          %dma_wait3A_109 = tpu.memref_slice %arg8[%mul3A_107] : memref<10000xf32, #tpu.memory_space<hbm>> -> memref<2000xf32, #tpu.memory_space<hbm>>
          tpu.wait_dma2 semaphore(%run_scoped3A : memref<!tpu.dma_semaphore, #tpu.memory_space<semaphore_mem>>) src(%arg17 : memref<2000xf32, #tpu.memory_space<vmem>>) dst(%dma_wait3A_109 : memref<2000xf32, #tpu.memory_space<hbm>>)
          tpu.yield
        }) : () -> ()
      } else {
      }
    } else {
    }
    %eq3A_85 = arith.constant 1 : i32
    %eq3A_86 = arith.cmpi eq, %arg0, %eq3A_85 : i32
    %convert_element_type3A_87 = arith.extui %eq3A_86 : i1 to i32
    %cond3A_88 = arith.constant 0 : i32
    %cond3A_89 = arith.cmpi ne, %convert_element_type3A_87, %cond3A_88 : i32
    scf.if %cond3A_89 {
      %mul3A_90 = arith.constant 624 : i32
      %mul3A_91 = arith.muli %arg1, %mul3A_90 : i32
      %mul3A_92 = arith.constant 624 : i32
      %mul3A_93 = arith.muli %arg1, %mul3A_92 : i32
      "tpu.region"() ({
        %run_scoped3A = tpu.sem_alloc : memref<!tpu.dma_semaphore, #tpu.memory_space<semaphore_mem>>
        %dma_start3A = arith.constant 0 : i32
        %dma_start3A_104 = tpu.memref_slice %arg9[%mul3A_93, %dma_start3A] : memref<10000x128xf32, #tpu.memory_space<hbm>> -> memref<624x128xf32, #tpu.memory_space<hbm>>
        %dma_start3A_105 = arith.constant 0 : i32
        %dma_start3A_106 = tpu.memref_slice %arg11[%mul3A_91, %dma_start3A_105] : memref<10000x128xf32, #tpu.memory_space<vmem_shared>> -> memref<624x128xf32, #tpu.memory_space<vmem_shared>>
        tpu.enqueue_dma source(%dma_start3A_106 : memref<624x128xf32, #tpu.memory_space<vmem_shared>>) target(%dma_start3A_104 : memref<624x128xf32, #tpu.memory_space<hbm>>) target_semaphore(%run_scoped3A : memref<!tpu.dma_semaphore, #tpu.memory_space<semaphore_mem>>)
        %dma_wait3A = arith.constant 0 : i32
        %dma_wait3A_107 = tpu.memref_slice %arg9[%mul3A_93, %dma_wait3A] : memref<10000x128xf32, #tpu.memory_space<hbm>> -> memref<624x128xf32, #tpu.memory_space<hbm>>
        %dma_wait3A_108 = arith.constant 0 : i32
        %dma_wait3A_109 = tpu.memref_slice %arg11[%mul3A_91, %dma_wait3A_108] : memref<10000x128xf32, #tpu.memory_space<vmem_shared>> -> memref<624x128xf32, #tpu.memory_space<vmem_shared>>
        tpu.wait_dma2 semaphore(%run_scoped3A : memref<!tpu.dma_semaphore, #tpu.memory_space<semaphore_mem>>) src(%dma_wait3A_109 : memref<624x128xf32, #tpu.memory_space<vmem_shared>>) dst(%dma_wait3A_107 : memref<624x128xf32, #tpu.memory_space<hbm>>)
        tpu.yield
      }) : () -> ()
      %eq3A_94 = arith.constant 0 : i32
      %eq3A_95 = arith.cmpi eq, %arg1, %eq3A_94 : i32
      %convert_element_type3A_96 = arith.extui %eq3A_95 : i1 to i32
      %cond3A_97 = arith.constant 0 : i32
      %cond3A_98 = arith.cmpi ne, %convert_element_type3A_96, %cond3A_97 : i32
      scf.if %cond3A_98 {
        "tpu.region"() ({
          %run_scoped3A = tpu.sem_alloc : memref<!tpu.dma_semaphore, #tpu.memory_space<semaphore_mem>>
          %dma_start3A = arith.constant 9984 : i32
          %dma_start3A_104 = arith.constant 0 : i32
          %dma_start3A_105 = tpu.memref_slice %arg9[%dma_start3A, %dma_start3A_104] : memref<10000x128xf32, #tpu.memory_space<hbm>> -> memref<16x128xf32, #tpu.memory_space<hbm>>
          %dma_start3A_106 = arith.constant 9984 : i32
          %dma_start3A_107 = arith.constant 0 : i32
          %dma_start3A_108 = tpu.memref_slice %arg11[%dma_start3A_106, %dma_start3A_107] : memref<10000x128xf32, #tpu.memory_space<vmem_shared>> -> memref<16x128xf32, #tpu.memory_space<vmem_shared>>
          tpu.enqueue_dma source(%dma_start3A_108 : memref<16x128xf32, #tpu.memory_space<vmem_shared>>) target(%dma_start3A_105 : memref<16x128xf32, #tpu.memory_space<hbm>>) target_semaphore(%run_scoped3A : memref<!tpu.dma_semaphore, #tpu.memory_space<semaphore_mem>>)
          %dma_wait3A = arith.constant 9984 : i32
          %dma_wait3A_109 = arith.constant 0 : i32
          %dma_wait3A_110 = tpu.memref_slice %arg9[%dma_wait3A, %dma_wait3A_109] : memref<10000x128xf32, #tpu.memory_space<hbm>> -> memref<16x128xf32, #tpu.memory_space<hbm>>
          %dma_wait3A_111 = arith.constant 9984 : i32
          %dma_wait3A_112 = arith.constant 0 : i32
          %dma_wait3A_113 = tpu.memref_slice %arg11[%dma_wait3A_111, %dma_wait3A_112] : memref<10000x128xf32, #tpu.memory_space<vmem_shared>> -> memref<16x128xf32, #tpu.memory_space<vmem_shared>>
          tpu.wait_dma2 semaphore(%run_scoped3A : memref<!tpu.dma_semaphore, #tpu.memory_space<semaphore_mem>>) src(%dma_wait3A_113 : memref<16x128xf32, #tpu.memory_space<vmem_shared>>) dst(%dma_wait3A_110 : memref<16x128xf32, #tpu.memory_space<hbm>>)
          tpu.yield
        }) : () -> ()
      } else {
      }
      %lt3A_99 = arith.constant 5 : i32
      %lt3A_100 = arith.cmpi slt, %arg1, %lt3A_99 : i32
      %convert_element_type3A_101 = arith.extui %lt3A_100 : i1 to i32
      %cond3A_102 = arith.constant 0 : i32
      %cond3A_103 = arith.cmpi ne, %convert_element_type3A_101, %cond3A_102 : i32
      scf.if %cond3A_103 {
        %mul3A_104 = arith.constant 2000 : i32
        %mul3A_105 = arith.muli %arg1, %mul3A_104 : i32
        "tpu.region"() ({
          %run_scoped3A = tpu.sem_alloc : memref<!tpu.dma_semaphore, #tpu.memory_space<semaphore_mem>>
          %dma_start3A = tpu.memref_slice %arg12[%mul3A_105] : memref<10000xf32, #tpu.memory_space<vmem_shared>> -> memref<2000xf32, #tpu.memory_space<vmem_shared>>
          %dma_start3A_108 = tpu.memref_slice %arg12[%mul3A_105] : memref<10000xf32, #tpu.memory_space<vmem_shared>> -> memref<2000xf32, #tpu.memory_space<vmem_shared>>
          tpu.enqueue_dma source(%dma_start3A_108 : memref<2000xf32, #tpu.memory_space<vmem_shared>>) target(%arg17 : memref<2000xf32, #tpu.memory_space<vmem>>) target_semaphore(%run_scoped3A : memref<!tpu.dma_semaphore, #tpu.memory_space<semaphore_mem>>)
          %dma_wait3A = tpu.memref_slice %arg12[%mul3A_105] : memref<10000xf32, #tpu.memory_space<vmem_shared>> -> memref<2000xf32, #tpu.memory_space<vmem_shared>>
          %dma_wait3A_109 = tpu.memref_slice %arg12[%mul3A_105] : memref<10000xf32, #tpu.memory_space<vmem_shared>> -> memref<2000xf32, #tpu.memory_space<vmem_shared>>
          tpu.wait_dma2 semaphore(%run_scoped3A : memref<!tpu.dma_semaphore, #tpu.memory_space<semaphore_mem>>) src(%dma_wait3A_109 : memref<2000xf32, #tpu.memory_space<vmem_shared>>) dst(%arg17 : memref<2000xf32, #tpu.memory_space<vmem>>)
          tpu.yield
        }) : () -> ()
        %mul3A_106 = arith.constant 2000 : i32
        %mul3A_107 = arith.muli %arg1, %mul3A_106 : i32
        "tpu.region"() ({
          %run_scoped3A = tpu.sem_alloc : memref<!tpu.dma_semaphore, #tpu.memory_space<semaphore_mem>>
          %dma_start3A = tpu.memref_slice %arg10[%mul3A_107] : memref<10000xf32, #tpu.memory_space<hbm>> -> memref<2000xf32, #tpu.memory_space<hbm>>
          %dma_start3A_108 = tpu.memref_slice %arg10[%mul3A_107] : memref<10000xf32, #tpu.memory_space<hbm>> -> memref<2000xf32, #tpu.memory_space<hbm>>
          tpu.enqueue_dma source(%arg17 : memref<2000xf32, #tpu.memory_space<vmem>>) target(%dma_start3A_108 : memref<2000xf32, #tpu.memory_space<hbm>>) target_semaphore(%run_scoped3A : memref<!tpu.dma_semaphore, #tpu.memory_space<semaphore_mem>>)
          %dma_wait3A = tpu.memref_slice %arg10[%mul3A_107] : memref<10000xf32, #tpu.memory_space<hbm>> -> memref<2000xf32, #tpu.memory_space<hbm>>
          %dma_wait3A_109 = tpu.memref_slice %arg10[%mul3A_107] : memref<10000xf32, #tpu.memory_space<hbm>> -> memref<2000xf32, #tpu.memory_space<hbm>>
          tpu.wait_dma2 semaphore(%run_scoped3A : memref<!tpu.dma_semaphore, #tpu.memory_space<semaphore_mem>>) src(%arg17 : memref<2000xf32, #tpu.memory_space<vmem>>) dst(%dma_wait3A_109 : memref<2000xf32, #tpu.memory_space<hbm>>)
          tpu.yield
        }) : () -> ()
      } else {
      }
    } else {
    }
    return
  }
}

module attributes {stable_mosaic.version = 14 : i64} {
  func.func @_tc_body(%arg0: i32, %arg1: memref<1000x128xf32, #tpu.memory_space<vmem>>, %arg2: memref<1000x1xf32, #tpu.memory_space<vmem>>, %arg3: memref<128x128xf32, #tpu.memory_space<vmem>>, %arg4: memref<1x128xf32, #tpu.memory_space<vmem>>, %arg5: memref<1000x128xf32, #tpu.memory_space<vmem>>, %arg6: memref<1000x1xf32, #tpu.memory_space<vmem>>, %arg7: memref<128x128xf32, #tpu.memory_space<vmem>>, %arg8: memref<1x128xf32, #tpu.memory_space<vmem>>, %arg9: memref<1000x128xf32, #tpu.memory_space<vmem>>, %arg10: memref<1000x128xf32, #tpu.memory_space<vmem>>) attributes {dimension_semantics = [#tpu.dimension_semantics<arbitrary>], iteration_bounds = array<i64: 10>, scalar_prefetch = 0 : i64, scratch_operands = 0 : i64, tpu.core_type = #tpu.core_type<tc>, window_params = [{transform_indices = @transform_0, window_bounds = array<i64: 1000, 128>}, {transform_indices = @transform_1, window_bounds = array<i64: 1000, 1>}, {pipeline_mode = #tpu.pipeline_mode<synchronous>, transform_indices = @transform_2, window_bounds = array<i64: 128, 128>}, {pipeline_mode = #tpu.pipeline_mode<synchronous>, transform_indices = @transform_3, window_bounds = array<i64: 1, 128>}, {transform_indices = @transform_4, window_bounds = array<i64: 1000, 128>}, {transform_indices = @transform_5, window_bounds = array<i64: 1000, 1>}, {pipeline_mode = #tpu.pipeline_mode<synchronous>, transform_indices = @transform_6, window_bounds = array<i64: 128, 128>}, {pipeline_mode = #tpu.pipeline_mode<synchronous>, transform_indices = @transform_7, window_bounds = array<i64: 1, 128>}, {transform_indices = @transform_8, window_bounds = array<i64: 1000, 128>}, {transform_indices = @transform_9, window_bounds = array<i64: 1000, 128>}]} {
    %get3A = arith.constant 0 : index
    %get3A_0 = arith.constant 0 : index
    %get3A_1 = vector.load %arg1[%get3A, %get3A_0] : memref<1000x128xf32, #tpu.memory_space<vmem>>, vector<1000x128xf32>
    %get3A_2 = arith.constant 0 : index
    %get3A_3 = arith.constant 0 : index
    %get3A_4 = vector.load %arg3[%get3A_2, %get3A_3] : memref<128x128xf32, #tpu.memory_space<vmem>>, vector<128x128xf32>
    %dot_general3A = arith.constant dense<0.000000e+00> : vector<1000x128xf32>
    %dot_general3A_5 = tpu.matmul %get3A_1, %get3A_4, %dot_general3A {dimension_numbers = #tpu.dot_dimension_numbers<[1], [0], [0], [1], [0, 0, 1, 1], [], []>, precision = #tpu.contract_precision<fp32>, transpose_lhs_hint = false} : vector<1000x128xf32>, vector<128x128xf32>, vector<1000x128xf32> -> vector<1000x128xf32>
    %get3A_6 = arith.constant 0 : index
    %get3A_7 = arith.constant 0 : index
    %get3A_8 = vector.load %arg2[%get3A_6, %get3A_7] : memref<1000x1xf32, #tpu.memory_space<vmem>>, vector<1000x1xf32>
    %get3A_9 = arith.constant 0 : index
    %get3A_10 = arith.constant 0 : index
    %get3A_11 = vector.load %arg4[%get3A_9, %get3A_10] : memref<1x128xf32, #tpu.memory_space<vmem>>, vector<1x128xf32>
    %mul3A = vector.broadcast %get3A_8 : vector<1000x1xf32> to vector<1000x128xf32>
    %mul3A_12 = vector.broadcast %get3A_11 : vector<1x128xf32> to vector<1000x128xf32>
    %mul3A_13 = arith.mulf %mul3A, %mul3A_12 : vector<1000x128xf32>
    %add3A = arith.addf %dot_general3A_5, %mul3A_13 : vector<1000x128xf32>
    %max3A = arith.constant 0.000000e+00 : f32
    %max3A_14 = vector.broadcast %max3A : f32 to vector<1000x128xf32>
    %max3A_15 = arith.maximumf %add3A, %max3A_14 : vector<1000x128xf32>
    %swap3A = arith.constant 0 : index
    %swap3A_16 = arith.constant 0 : index
    %swap3A_17 = vector.load %arg9[%swap3A, %swap3A_16] : memref<1000x128xf32, #tpu.memory_space<vmem>>, vector<1000x128xf32>
    tpu.vector_store %arg9[%swap3A, %swap3A_16], %max3A_15 {strides = array<i32>} : memref<1000x128xf32, #tpu.memory_space<vmem>>, vector<1000x128xf32>,
    %get3A_18 = arith.constant 0 : index
    %get3A_19 = arith.constant 0 : index
    %get3A_20 = vector.load %arg5[%get3A_18, %get3A_19] : memref<1000x128xf32, #tpu.memory_space<vmem>>, vector<1000x128xf32>
    %get3A_21 = arith.constant 0 : index
    %get3A_22 = arith.constant 0 : index
    %get3A_23 = vector.load %arg7[%get3A_21, %get3A_22] : memref<128x128xf32, #tpu.memory_space<vmem>>, vector<128x128xf32>
    %dot_general3A_24 = arith.constant dense<0.000000e+00> : vector<1000x128xf32>
    %dot_general3A_25 = tpu.matmul %get3A_20, %get3A_23, %dot_general3A_24 {dimension_numbers = #tpu.dot_dimension_numbers<[1], [0], [0], [1], [0, 0, 1, 1], [], []>, precision = #tpu.contract_precision<fp32>, transpose_lhs_hint = false} : vector<1000x128xf32>, vector<128x128xf32>, vector<1000x128xf32> -> vector<1000x128xf32>
    %get3A_26 = arith.constant 0 : index
    %get3A_27 = arith.constant 0 : index
    %get3A_28 = vector.load %arg6[%get3A_26, %get3A_27] : memref<1000x1xf32, #tpu.memory_space<vmem>>, vector<1000x1xf32>
    %get3A_29 = arith.constant 0 : index
    %get3A_30 = arith.constant 0 : index
    %get3A_31 = vector.load %arg8[%get3A_29, %get3A_30] : memref<1x128xf32, #tpu.memory_space<vmem>>, vector<1x128xf32>
    %mul3A_32 = vector.broadcast %get3A_28 : vector<1000x1xf32> to vector<1000x128xf32>
    %mul3A_33 = vector.broadcast %get3A_31 : vector<1x128xf32> to vector<1000x128xf32>
    %mul3A_34 = arith.mulf %mul3A_32, %mul3A_33 : vector<1000x128xf32>
    %add3A_35 = arith.addf %dot_general3A_25, %mul3A_34 : vector<1000x128xf32>
    %max3A_36 = arith.constant 0.000000e+00 : f32
    %max3A_37 = vector.broadcast %max3A_36 : f32 to vector<1000x128xf32>
    %max3A_38 = arith.maximumf %add3A_35, %max3A_37 : vector<1000x128xf32>
    %swap3A_39 = arith.constant 0 : index
    %swap3A_40 = arith.constant 0 : index
    %swap3A_41 = vector.load %arg10[%swap3A_39, %swap3A_40] : memref<1000x128xf32, #tpu.memory_space<vmem>>, vector<1000x128xf32>
    tpu.vector_store %arg10[%swap3A_39, %swap3A_40], %max3A_38 {strides = array<i32>} : memref<1000x128xf32, #tpu.memory_space<vmem>>, vector<1000x128xf32>,
    return
  }
  func.func @transform_0(%arg0: i32) -> (i32, i32) {
    %c0_i32 = arith.constant 0 : i32
    %c0_i32_0 = arith.constant 0 : i32
    return %arg0, %c0_i32 : i32, i32
  }
  func.func @transform_1(%arg0: i32) -> (i32, i32) {
    %c0_i32 = arith.constant 0 : i32
    %c0_i32_0 = arith.constant 0 : i32
    return %arg0, %c0_i32 : i32, i32
  }
  func.func @transform_2(%arg0: i32) -> (i32, i32) {
    %c0_i32 = arith.constant 0 : i32
    %c0_i32_0 = arith.constant 0 : i32
    %c0_i32_1 = arith.constant 0 : i32
    return %c0_i32, %c0_i32_0 : i32, i32
  }
  func.func @transform_3(%arg0: i32) -> (i32, i32) {
    %c0_i32 = arith.constant 0 : i32
    %c0_i32_0 = arith.constant 0 : i32
    %c0_i32_1 = arith.constant 0 : i32
    return %c0_i32, %c0_i32_0 : i32, i32
  }
  func.func @transform_4(%arg0: i32) -> (i32, i32) {
    %c0_i32 = arith.constant 0 : i32
    %c0_i32_0 = arith.constant 0 : i32
    return %arg0, %c0_i32 : i32, i32
  }
  func.func @transform_5(%arg0: i32) -> (i32, i32) {
    %c0_i32 = arith.constant 0 : i32
    %c0_i32_0 = arith.constant 0 : i32
    return %arg0, %c0_i32 : i32, i32
  }
  func.func @transform_6(%arg0: i32) -> (i32, i32) {
    %c0_i32 = arith.constant 0 : i32
    %c0_i32_0 = arith.constant 0 : i32
    %c0_i32_1 = arith.constant 0 : i32
    return %c0_i32, %c0_i32_0 : i32, i32
  }
  func.func @transform_7(%arg0: i32) -> (i32, i32) {
    %c0_i32 = arith.constant 0 : i32
    %c0_i32_0 = arith.constant 0 : i32
    %c0_i32_1 = arith.constant 0 : i32
    return %c0_i32, %c0_i32_0 : i32, i32
  }
  func.func @transform_8(%arg0: i32) -> (i32, i32) {
    %c0_i32 = arith.constant 0 : i32
    %c0_i32_0 = arith.constant 0 : i32
    return %arg0, %c0_i32 : i32, i32
  }
  func.func @transform_9(%arg0: i32) -> (i32, i32) {
    %c0_i32 = arith.constant 0 : i32
    %c0_i32_0 = arith.constant 0 : i32
    return %arg0, %c0_i32 : i32, i32
  }
}

</mosaic_0001>

<sc_bundles>
// kernel: kernel.4.cloned.1.call-start
scs
__scs_entry_jumppad:
0x0: {  	(pc) =	sbr.rel $0x88, $3  }
0x1: {  	(tag) =	ssettag $0x0;
	lr =	simm.s32 $0x1  }
0x2: {  	[smem:$0x3F99] =	sst lr;
	_ =	strace $0xD0000000  }
0x3: {  	_ = 	snop  }
0x4: {  	_ = 	snop  }
0x5: {  	_ = 	snop  }
0x6: {  	_ = 	snop  }
0x7: {  	_ = 	snop  }
__scs_overlays_trampoline_lowered:
0x8: {  	[smem:$0x3FA8] =	sst s0  }
0x9: {  	[smem:$0x3FA9] =	sst s1  }
0xa: {  	[smem:$0x3FAA] =	sst s2  }
0xb: {  	[smem:$0x3FAB] =	sst s3  }
0xc: {  	[smem:$0x3FAC] =	sst s4  }
0xd: {  	[smem:$0x3FAD] =	sst s5  }
0xe: {  	[smem:$0x3FAE] =	sst s6  }
0xf: {  	[smem:$0x3FAF] =	sst s7  }
0x10: {  	[smem:$0x3FB0] =	sst s8  }
0x11: {  	[smem:$0x3FB1] =	sst s9;
	s0 =	simm.s32 @!p0 $0x0  }
0x12: {  	s1 =	sld [smem:$0x3F97];
	s0 =	simm.s32 @p0 $0x1  }
0x13: {  	[smem:$0x3FB2] =	sst s0;
	s0 =	simm.s32 @!p1 $0x0  }
0x14: {  	s2 =	sld [smem:$0x3F96];
	s0 =	simm.s32 @p1 $0x1  }
0x15: {  	[smem:$0x3FB3] =	sst s0;
	s0 =	simm.s32 @!p2 $0x0  }
0x16: {  	s3 =	sld [smem:$0x3FDB];
	s0 =	simm.s32 @p2 $0x1  }
0x17: {  	s4 =	simm.s32 $0x1BF5;
	[smem:$0x3FB5] =	sst s0  }
0x18: {  	s0 =	sld [smem:$0x3F98];
	_ =	swait.ge [sflag:s4], $0x0  }
0x19: {  	s7 =	sld [smem:$0x3F99]  }
0x1a: {  	s8 =	sadd.s32 $0xFFFFE003, lr  }
0x1b: {  	s9 =	sadd.s32 $0xFFFFFEF7, lr;
	s5 =	simm.s32 $0xFFFFFFFF;
	p2 =	slt.u32 s8, $0xFFFFF086  }
0x1c: {  	p1 =	slt.u32 s9, $0xF7A;
	s5 =	simm.s32 @!p2 $0x0  }
0x1d: {  	s5 =	simm.s32 @p1 $0x1;
	p0 =	seq.s32 s7, s2  }
0x1e: {  	s7 =	smul.u32 @!p0 $0xF7A, s2;
	p2 =	seq.s32 @!p0 s5, $0x0  }
0x1f: {  	s9 =	smul.u32 $0xF7A, s1;
	s8 =	simm.s32 @!p0 $0x1BF5;
	p2 =	por !p2, p0  }
0x20: {  	[sflag:s8] =	ssyncset.s32 @!p0 $0xFFFFF086;
	s6 =	sadd.s32 @!p0 s3, s7;
	s7 =	simm.s32 @!p0 $0x108  }
0x21: {  	s3 =	sadd.s32 s3, s9;
	s6 =	sadd.s32 @!p0 $0x88, s6;
	s7 =	simm.s32 @p2 $0x1082  }
0x22: {  	[simem:s7], [sflag:s8] =	dma.local @!p0 [hbm:s6], $0xF7A  }
0x23: {  	s9 =	sor.u32 $0xD0000000, s2;
	s6 =	simm.s32 $0x108;
	_ =	swait.ge @!p0 [sflag:s8], $0x0  }
0x24: {  	s3 =	sadd.s32 $0x88, s3;
	s6 =	simm.s32 @!p1 $0x1082;
	[sflag:s4] =	ssyncset.s32 $0xFFFFF086  }
0x25: {  	[simem:s6], [sflag:s4] =	dma.local [hbm:s3], $0xF7A  }
0x26: {  	[smem:$0x3F99] =	sst s1;
	(tag) =	ssettag s2;
	_ =	strace s9  }
0x27: {  	s1 =	sld [smem:$0x3FA9]  }
0x28: {  	s2 =	sld [smem:$0x3FAA]  }
0x29: {  	s4 =	sld [smem:$0x3FAC]  }
0x2a: {  	p0 =	seq.s32 s5, $0x0;
	s5 =	sld [smem:$0x3FAD]  }
0x2b: {  	s6 =	sld [smem:$0x3FAE]  }
0x2c: {  	s7 =	sld [smem:$0x3FAF]  }
0x2d: {  	s3 =	simm.s32 $0x108;
	s8 =	sld [smem:$0x3FB0]  }
0x2e: {  	s3 =	simm.s32 @!p0 $0x1082;
	s9 =	sld [smem:$0x3FB1]  }
0x2f: {  	lr =	sadd.s32 s0, s3;
	s0 =	sld [smem:$0x3FA8]  }
0x30: {  	s3 =	sld [smem:$0x3FAB]  }
0x31: {  	[smem:$0x3FB4] =	sst s10  }
0x32: {  	s10 =	sld [smem:$0x3FB2];
	_ =	sdelay $0x3  }
0x33: {  	p0 =	seq.s32 s10, $0x1;
	s10 =	sld [smem:$0x3FB4];
	_ =	sdelay $0x3  }
0x34: {  	[smem:$0x3FB4] =	sst s10  }
0x35: {  	s10 =	sld [smem:$0x3FB3];
	_ =	sdelay $0x3  }
0x36: {  	p1 =	seq.s32 s10, $0x1;
	s10 =	sld [smem:$0x3FB4];
	_ =	sdelay $0x3  }
0x37: {  	[smem:$0x3FB4] =	sst s10  }
0x38: {  	s10 =	sld [smem:$0x3FB5]  }
0x39: {  	_ = 	snop;
	(pc) =	sbr.ind lr, $3  }
0x3a: {  	_ = 	snop  }
0x3b: {  	_ = 	snop  }
0x3c: {  	p2 =	seq.s32 s10, $0x1;
	s10 =	sld [smem:$0x3FB4]  }
0x3d: {  	_ =	shalt  }
0x3e: {  	_ =	shalt  }
0x3f: {  	_ =	shalt  }
0x40: {  	_ =	shalt  }
0x41: {  	_ =	shalt  }
0x42: {  	_ =	shalt  }
0x43: {  	_ =	shalt  }
0x44: {  	_ =	shalt  }
0x45: {  	_ =	shalt  }
0x46: {  	_ =	shalt  }
0x47: {  	_ =	shalt  }
0x48: {  	_ =	shalt  }
0x49: {  	_ =	shalt  }
0x4a: {  	_ =	shalt  }
0x4b: {  	_ =	shalt  }
0x4c: {  	_ =	shalt  }
0x4d: {  	_ =	shalt  }
0x4e: {  	_ =	shalt  }
0x4f: {  	_ =	shalt  }
0x50: {  	_ =	shalt  }
0x51: {  	_ =	shalt  }
0x52: {  	_ =	shalt  }
0x53: {  	_ =	shalt  }
0x54: {  	_ =	shalt  }
0x55: {  	_ =	shalt  }
0x56: {  	_ =	shalt  }
0x57: {  	_ =	shalt  }
0x58: {  	_ =	shalt  }
0x59: {  	_ =	shalt  }
0x5a: {  	_ =	shalt  }
0x5b: {  	_ =	shalt  }
0x5c: {  	_ =	shalt  }
0x5d: {  	_ =	shalt  }
0x5e: {  	_ =	shalt  }
0x5f: {  	_ =	shalt  }
0x60: {  	_ =	shalt  }
0x61: {  	_ =	shalt  }
0x62: {  	_ =	shalt  }
0x63: {  	_ =	shalt  }
0x64: {  	_ =	shalt  }
0x65: {  	_ =	shalt  }
0x66: {  	_ =	shalt  }
0x67: {  	_ =	shalt  }
0x68: {  	_ =	shalt  }
0x69: {  	_ =	shalt  }
0x6a: {  	_ =	shalt  }
0x6b: {  	_ =	shalt  }
0x6c: {  	_ =	shalt  }
0x6d: {  	_ =	shalt  }
0x6e: {  	_ =	shalt  }
0x6f: {  	_ =	shalt  }
0x70: {  	_ =	shalt  }
0x71: {  	_ =	shalt  }
0x72: {  	_ =	shalt  }
0x73: {  	_ =	shalt  }
0x74: {  	_ =	shalt  }
0x75: {  	_ =	shalt  }
0x76: {  	_ =	shalt  }
0x77: {  	_ =	shalt  }
0x78: {  	_ =	shalt  }
0x79: {  	_ =	shalt  }
0x7a: {  	_ =	shalt  }
0x7b: {  	_ =	shalt  }
0x7c: {  	_ =	shalt  }
0x7d: {  	_ =	shalt  }
0x7e: {  	_ =	shalt  }
0x7f: {  	_ =	shalt  }
0x80: {  	_ =	shalt  }
0x81: {  	_ =	shalt  }
0x82: {  	_ =	shalt  }
0x83: {  	_ =	shalt  }
0x84: {  	_ =	shalt  }
0x85: {  	_ =	shalt  }
0x86: {  	_ =	shalt  }
0x87: {  	_ =	shalt  }
.Lfunc_end0:
.L_simem_size_0:
called_computation_lowered:
.L_overlay_start_0:
0x88: {  	s2 =	sld [smem:$0x3FD9]  }
0x89: {  	s3 =	sld [smem:$0x3FFE];
	_ =	sdelay $0x1  }
0x8a: {  	s1 =	srdreg.scid  }
0x8b: {  	s0 =	sand.u32 $0x1, s1  }
0x8c: {  	s14 =	sshll.u32 s0, $0xA;
	s2 =	sadd.s32 s3, s2  }
0x8d: {  	s2 =	sadd.s32 s2, s14  }
0x8e: {  	[smem:$0x3FC0] =	sst s2  }
0x8f: {  	_ = 	snop  }
0x90: {  	s2 =	sld [smem:$0x3FD0];
	_ =	sdelay $0x1  }
0x91: {  	s15 =	sld [smem:$0x3FC9]  }
0x92: {  	s5 =	simm.s32 $0xA;
	s6 =	simm.s32 $0x10;
	s4 =	sld [smem:$0x3FC8]  }
0x93: {  	[smem:s6], [sflag:s5] =	dma.local [hbm:s2], $0x1  }
0x94: {  	_ =	swait.eq [sflag:s5], $0x1  }
0x95: {  	[sflag:s5] =	ssyncset.done $0x0  }
0x96: {  	s16 =	sld [smem:$0x10];
	[sflag:s5] =	ssyncadd.s32 $0xFFFFFFFF  }
0x97: {  	s17 =	sld [smem:$0x11];
	(tm) =	ssettm $0x1  }
0x98: {  	s18 =	sld [smem:$0x3FFB];
	_ =	sdelay $0x3  }
0x99: {  	_ =	strace s18  }
0x9a: {  	s6 =	sld [smem:$0x3FFC];
	_ =	sdelay $0x3  }
0x9b: {  	_ =	strace s6  }
0x9c: {  	s6 =	sld [smem:$0x3FFD];
	_ =	sdelay $0x3  }
0x9d: {  	_ =	strace s6  }
0x9e: {  	_ =	strace $0x8FFFFFFF  }
0x9f: {  	s19 =	sld [smem:$0x3FDB];
	_ =	sdelay $0x1  }
0xa0: {  	s7 =	simm.s32 $_scs_section_size  }
0xa1: {  	s8 =	simm.s32 $_size__tile_overlayer_lowered;
	s9 =	simm.s32 $_tile_overlayer_lowered  }
0xa2: {  	s22 =	simm.s32 $0x1BFF;
	s21 =	sshll.u32 s9, $0x1;
	s6 =	sadd.s32 s7, s19  }
0xa3: {  	s10 =	simm.s32 $0x0;
	s20 =	sshll.u32 s8, $0x1;
	s8 =	sadd.s32 s21, s6  }
0xa4: {  	[timem:s10], [sflag:s22] =	dma.local [hbm:s8], s20  }
0xa5: {  	_ =	swait.ge [sflag:s22], s20  }
0xa6: {  	s7 =	ssub.s32 $0x0, s20;
	[sflag:s22] =	ssyncset.done $0x0  }
0xa7: {  	[sflag:s22] =	ssyncadd.s32 s7;
	_ =	sdelay $0x1  }
0xa8: {  	s23 =	simm.s32 $0x1B8B  }
0xa9: {  	_ =	swait.ge [sflag:s23], $0x1  }
0xaa: {  	[sflag:s23] =	ssyncset.done $0x0  }
0xab: {  	s25 =	simm.s32 $0x1B8E;
	s24 =	sld [smem:$0x3FFE];
	[sflag:s23] =	ssyncadd.s32 $0xFFFFFFFF  }
0xac: {  	s26 =	simm.s32 $execute0_lowered;
	[smem:$0x3FD2] =	sst s25  }
0xad: {  	s8 =	sshll.u32 s26, $0x1;
	_ =	strace $0x80000046;
	[dreg:$0x1] =	wrdreg $0xFFFFFFFF  }
0xae: {  	s28 =	simm.s32 $_size_execute0_lowered;
	s6 =	sadd.s32 s6, s8;
	[dreg:$0x0] =	wrdreg $0x0  }
0xaf: {  	s8 =	sshll.u32 s28, $0x1;
	[dreg:$0x2] =	wrdreg s6  }
0xb0: {  	[dreg:$0x3] =	wrdreg s8  }
0xb1: {  	[dreg:$0x4] =	wrdreg $0xC0  }
0xb2: {  	_ =	task [dreg:s10], $0x5FFFF  }
0xb3: {  	[dreg:$0x1] =	wrdreg $0xFFFFFFFF  }
0xb4: {  	[dreg:$0x0] =	wrdreg $0x60  }
0xb5: {  	[dreg:$0x2] =	wrdreg s15  }
0xb6: {  	[dreg:$0x3] =	wrdreg s4  }
0xb7: {  	[dreg:$0x4] =	wrdreg s24  }
0xb8: {  	[dreg:$0x5] =	wrdreg s16  }
0xb9: {  	[dreg:$0x6] =	wrdreg s17  }
0xba: {  	[dreg:$0x7] =	wrdreg $0x0  }
0xbb: {  	[dreg:$0x8] =	wrdreg $0x138800  }
0xbc: {  	[dreg:$0x9] =	wrdreg $0x9  }
0xbd: {  	_ =	task.clear_ibuf [dreg:s10], $0xAFFFF;
	_ =	strace $0x90000046  }
0xbe: {  	s29 =	simm.s32 $0x9;
	_ =	strace $0x80000048  }
0xbf: {  	_ =	swait.ge [sflag:s29], $0x1  }
0xc0: {  	[sflag:s29] =	ssyncadd.s32 $0xFFFFFFFF  }
0xc1: {  	_ =	strace $0x90000048  }
0xc2: {  	_ =	sfence  }
0xc3: {  	s30 =	sld [smem:$0x0];
	_ =	sdelay $0x2  }
0xc4: {  	s31 =	sshll.u32 s1, $0xD;
	s1 =	sshrl.u32 s1, $0x2  }
0xc5: {  	s3 =	sand.u32 $0x4000, s31;
	s1 =	sadd.s32 s1, s30  }
0xc6: {  	s0 =	sor.u32 s3, s0;
	s1 =	sshll.u32 s1, $0x11  }
0xc7: {  	s0 =	sor.u32 s1, s0  }
0xc8: {  	s0 =	sadd.s32 $0x8F2B, s0  }
0xc9: {  	[sflag:s0] =	ssyncadd.remote.s32 $0x1  }
0xca: {  	_ =	sfence.sel $0xFFFF  }
0xcb: {  	[dreg:$0x0] =	wrdreg $0xFFFFFFFF;
	(pc) =	sbr.abs _section_cstart, $3  }
0xcc: {  	[dreg:$0x1] =	wrdreg $0xFFFFFFFF  }
0xcd: {  	_ =	task.clear_ibuf [dreg:s10], $0x2FFFF;
	_ =	strace $0x9FFFFFFF  }
0xce: {  	(tm) =	ssettm $0x7FFFFFFF  }
0xcf: {  	_ =	shalt  }
tec
execute0_lowered:
.L_overlay_start_1:
0x0: {  	(tag) =	ssettag $0x1  }
0x1: {  	s0 =	rddreg [dreg:$0x0]  }
0x2: {  	s1 =	rddreg [dreg:$0x1]  }
0x3: {  	s2 =	rddreg [dreg:$0x2]  }
0x4: {  	s9 =	rddreg [dreg:$0x3]  }
0x5: {  	s10 =	rddreg [dreg:$0x4]  }
0x6: {  	s3 =	rddreg [dreg:$0x5]  }
0x7: {  	s4 =	rddreg [dreg:$0x6];
	s13 =	stileid.u32  }
0x8: {  	s5 =	simm.s32 $0x0;
	s11 =	srdreg.scid;
	s14 =	smul.u32 $0x5000, s13  }
0x9: {  	s30 =	simm.s32 $0x6;
	s28 =	simm.s32 $0x1;
	s16 =	smul.u32 $0x4E000, s13  }
0xa: {  	s29 =	simm.s32 $0x2;
	[smem:$0x7FF] =	sst s5;
	s23 =	smul.u32 $0x1F40, s13  }
0xb: {  	s6 =	sadd.s32 $0x1800, s2;
	s7 =	sadd.s32 $0x15800, s2;
	s25 =	smul.u32 $0xA, s13  }
0xc: {  	s8 =	sadd.s32 $0x29800, s2;
	s11 =	sand.u32 $0x1, s11;
	s5 =	smul.u32 $0x2700, s13  }
0xd: {  	s21 =	sadd.s32 $0x2C000, s2;
	s22 =	sadd.s32 $0x2C600, s2;
	s20 =	smul.u32 $0x7D0, s13  }
0xe: {  	p2 =	seq.s32 s13, $0x0;
	_ =	strace $0x80000047;
	[dreg:$0x9] =	wrdreg s21  }
0xf: {  	p3 =	sgt.u32 s13, $0x4;
	s12 =	ssub.s32 $0x2, s11;
	[dreg:$0xa] =	wrdreg s22  }
0x10: {  	p0 =	seq.s32 s11, $0x0;
	s19 =	smov.u32 s7;
	p1 =	sne.s32 s11, $0x0  }
0x11: {  	[dreg:$0x8] =	wrdreg s8;
	s15 =	sshrl.u32 s12, $0x1;
	s18 =	sshrl.u32 s14, $0x3  }
0x12: {  	s24 =	sshrl.u32 s16, $0x2;
	s14 =	sor.u32 $0x1, s25;
	s19 =	smov.u32 @p0 s6  }
0x13: {  	s21 =	sadd.s32 s10, s5;
	s10 =	sadd.s32 $0x27000, s10;
	s22 =	sadd.s32 s20, s4  }
0x14: {  	p0 =	sne.s32 s13, $0x0;
	s25 =	sshll.u32 s13, $0x6;
	s17 =	ssub.s32 s12, s15  }
0x15: {  	s26 =	sadd.s32 s24, s3;
	s12 =	sadd.s32 $0x138000, s3;
	[dreg:$0xe] =	wrdreg s21  }
0x16: {  	s15 =	sshrl.u32 s23, $0x2;
	s19 =	sadd.s32 s19, s18;
	[dreg:$0xf] =	wrdreg s10  }
0x17: {  	[dreg:$0x10] =	wrdreg s22;
	s23 =	sshrl.u32 s20, $0x3;
	s21 =	sadd.s32 $0xB800, s2  }
0x18: {  	s24 =	sadd.s32 s9, s5;
	s9 =	sadd.s32 $0x27000, s9;
	[dreg:$0xb] =	wrdreg s26  }
0x19: {  	s25 =	sor.u32 $0x1C06, s25;
	s10 =	simm.s32 $0x15AF8;
	[dreg:$0x11] =	wrdreg s23  }
0x1a: {  	s18 =	simm.s32 $0x1DAF8;
	s20 =	simm.s32 $0x4;
	[dreg:$0x12] =	wrdreg s24  }
.Ltmp0:
0x1b: {  	s22 =	simm.s32 $0x0;
	[dreg:$0x13] =	wrdreg s9;
	(pc) =	sbr.rel .LBB2_1-.Ltmp0, $4  }
0x1c: {  	s31 =	sadd.s32 s15, s4;
	s15 =	sadd.s32 $0x1F800, s2;
	[dreg:$0xd] =	wrdreg s19  }
0x1d: {  	s26 =	smax.u32 s17, $0x1;
	s2 =	simm.s32 $0x5;
	[dreg:$0xc] =	wrdreg s31  }
0x1e: {  	s9 =	simm.s32 $0x7D;
	[dreg:$0x14] =	wrdreg s26;
	s31 =	sadd.s32 $0xA000, s19  }
0x1f: {  	v0 =	vimm.f32 $0.0e+00;
	v1 =	vimm.f32 $1.000000000e+00;
	s17 =	simm.s32 $0x19AF8;
	s19 =	simm.s32 $0x3;
	[dreg:$0x15] =	wrdreg s31  }
.LBB2_16:
0x20: {  	s5 =	rddreg [dreg:$0x10];
	s13 =	simm.s32 $0x1DB78  }
0x21: {  	[tilespmem:s13], [sflag:$0x6] =	stream.linear.gather [spmem:s5], $0x7D0, $0x38;
	[tilespmem:$0x1E378] =	vst v63  }
0x22: {  	_ =	swait.ge [sflag:s30], $0x7D0  }
0x23: {  	[sflag:s30] =	ssyncset.done $0x0;
	s31 =	rddreg [dreg:$0x11]  }
0x24: {  	s8 =	simm.s32 $0x0;
	s5 =	sadd.s32 s11, s31;
	[sflag:s30] =	ssyncadd.s32 $0xFFFFF830  }
0x25: {  	[hbm4b:s5+s8] =	stream.linear.scatter [tilespmem:s13], [sflag:$0x6], $0x7D0, $0x38;
	[tilespmem:$0x1E378] =	vst v63  }
0x26: {  	_ =	swait.ge [sflag:s30], $0x7D0  }
0x27: {  	[sflag:s30] =	ssyncset.done $0x0  }
0x28: {  	[sflag:s30] =	ssyncadd.s32 $0xFFFFF830  }
.LBB2_17:
0x29: {  	s22 =	sadd.s32 $0x1, s22;
	s5 =	rddreg [dreg:$0x14]  }
0x2a: {  	p4 =	sne.s32 s22, s5  }
.Ltmp1:
0x2b: {  	_ = 	snop;
	(pc) =	sbr.rel @!p4 .LBB2_18-.Ltmp1, $2  }
0x2c: {  	_ =	sdelay $0x2  }
0x2d: {  	s8 =	rddreg [dreg:$0x8]  }
.LBB2_1:
0x2e: {  	s11 =	rddreg [dreg:$0xd]  }
0x2f: {  	s5 =	simm.s32 $0x0;
	s13 =	simm.s32 $0x13AF8;
	s26 =	rddreg [dreg:$0x15]  }
0x30: {  	[tilespmem:s13], [sflag:$0x5] =	stream.linear.gather [hbm4b:s11+s5], $0x800, $0x38;
	[tilespmem:$0x1E378] =	vst v63  }
0x31: {  	s31 =	simm.s32 $0x14AF8;
	s11 =	simm.s32 $0x40;
	s13 =	simm.s32 $0x0  }
0x32: {  	[tilespmem:s31], [sflag:$0x5] =	stream.linear.gather [hbm4b:s26+s5], $0x800, $0x38;
	[tilespmem:$0x1E378] =	vst v63  }
.LBB2_2:
0x33: {  	p4 =	sne.s32 s11, $0x1F00;
	[tilespmem:s13+$0x1DB78] =	vst v0;
	s13 =	smov.u32 s11;
	s11 =	sadd.s32 $0x40, s11  }
.Ltmp2:
0x34: {  	(pc) =	sbr.rel @p4 .LBB2_2-.Ltmp2, $2  }
0x35: {  	_ =	sdelay $0x2  }
0x36: {  	s13 =	sshra.s32 s13, $0x2  }
0x37: {  	[tilespmem:s13+$0x1DB78] =	vst v0  }
0x38: {  	[tilespmem:$0x1DAF8] =	vst v1  }
0x39: {  	[tilespmem:$0x1DB08] =	vst v1  }
0x3a: {  	[tilespmem:$0x1DB18] =	vst v1  }
0x3b: {  	[tilespmem:$0x1DB28] =	vst v1  }
0x3c: {  	[tilespmem:$0x1DB38] =	vst v1  }
0x3d: {  	[tilespmem:$0x1DB48] =	vst v1  }
0x3e: {  	s5 =	rddreg [dreg:$0xb];
	[tilespmem:$0x1DB58] =	vst v1  }
.Ltmp3:
0x3f: {  	[tilespmem:$0x1DB68] =	vst v1;
	s23 =	sshrl.u32 s5, $0x3;
	(pc) =	sbr.rel @!p0 .LBB2_4-.Ltmp3, $4  }
0x40: {  	[spmem:s23], [sflag:s25] =	dma.local [hbm:s8], $0x2700  }
0x41: {  	_ =	swait.ge [sflag:s30], $0x2700  }
0x42: {  	[sflag:s30] =	ssyncset.done $0x0  }
0x43: {  	[sflag:s30] =	ssyncadd.s32 $0xFFFFD900  }
.Ltmp4:
0x44: {  	(pc) =	sbr.rel @p3 .LBB2_7-.Ltmp4, $4  }
.Ltmp5:
0x45: {  	(pc) =	sbr.rel @!p3 .LBB2_6-.Ltmp5, $4  }
0x46: {  	_ = 	snop  }
0x47: {  	_ = 	snop  }
0x48: {  	p4 =	por $0x0, $0x0  }
0x49: {  	_ = 	snop  }
.LBB2_4:
0x4a: {  	s11 =	sshrl.u32 s12, $0x3  }
0x4b: {  	[spmem:s11], [sflag:s25] =	dma.local [hbm:s8], $0x100  }
0x4c: {  	_ =	swait.ge [sflag:s30], $0x100  }
0x4d: {  	[sflag:s30] =	ssyncset.done $0x0  }
0x4e: {  	[sflag:s30] =	ssyncadd.s32 $0xFFFFFF00  }
.LBB2_6:
0x4f: {  	s5 =	rddreg [dreg:$0xc];
	s8 =	simm.s32 $0x1DB78  }
0x50: {  	[spmem:s5] =	stream.linear.scatter [tilespmem:s8], [sflag:$0x6], $0x7D0, $0x38;
	[tilespmem:$0x1E378] =	vst v63  }
0x51: {  	_ =	swait.ge [sflag:s30], $0x7D0  }
0x52: {  	[sflag:s30] =	ssyncset.done $0x0  }
0x53: {  	p4 =	por $0x1, $0x1;
	[sflag:s30] =	ssyncadd.s32 $0xFFFFF830  }
.LBB2_7:
.Ltmp6:
0x54: {  	(pc) =	sbr.rel @p1 .LBB2_12-.Ltmp6, $3  }
0x55: {  	_ =	sdelay $0x1  }
0x56: {  	[bflag:$0x0] =	sbarrier.arrive $0xFFFF  }
0x57: {  	s31 =	simm.s32 $0x0;
	s13 =	sshrl.u32 @p2 s12, $0x3  }
.LBB2_8:
0x58: {  	p5 =	seq.s32 s31, $0x0  }
0x59: {  	s11 =	simm.s32 @!p5 $0x3  }
0x5a: {  	_ =	swait.ge @!p5 [sflag:s11], $0x3E80  }
0x5b: {  	[sflag:s11] =	ssyncset.done @!p5 $0x0  }
0x5c: {  	[sflag:s11] =	ssyncadd.s32 @!p5 $0xFFFFC180  }
0x5d: {  	_ =	swait.ge @!p5 [sflag:s11], $0x7D  }
0x5e: {  	[sflag:s11] =	ssyncset.done @!p5 $0x0  }
0x5f: {  	[sflag:s11] =	ssyncadd.s32 @!p5 $0xFFFFFF83;
	s11 =	simm.s32 @!p5 $0x4  }
0x60: {  	_ =	swait.ge @!p5 [sflag:s11], $0x3E80  }
0x61: {  	[sflag:s11] =	ssyncset.done @!p5 $0x0  }
0x62: {  	[sflag:s11] =	ssyncadd.s32 @!p5 $0xFFFFC180  }
0x63: {  	_ =	swait.ge @!p5 [sflag:s11], $0x7D  }
0x64: {  	[sflag:s11] =	ssyncset.done @!p5 $0x0  }
0x65: {  	[sflag:s11] =	ssyncadd.s32 @!p5 $0xFFFFFF83  }
0x66: {  	_ =	swait.ge [sflag:s2], $0x800  }
0x67: {  	p5 =	seq.s32 s31, $0x9;
	[sflag:s2] =	ssyncset.done $0x0  }
0x68: {  	s11 =	sadd.s32 @!p5 s31, s14;
	[sflag:s2] =	ssyncadd.s32 $0xFFFFF800  }
0x69: {  	s16 =	sshll.u32 @!p5 s31, $0xB;
	s5 =	simm.s32 @!p5 $0x0;
	_ =	swait.ge [sflag:s2], $0x800  }
0x6a: {  	s16 =	sand.u32 @!p5 $0x800, s16;
	s11 =	sshll.u32 @!p5 s11, $0x8;
	[sflag:s2] =	ssyncset.done $0x0  }
0x6b: {  	s24 =	ssub.s32 @!p5 $0x142F8, s16;
	s26 =	sadd.s32 @!p5 s6, s11;
	[sflag:s2] =	ssyncadd.s32 $0xFFFFF800  }
0x6c: {  	[tilespmem:s24], [sflag:$0x5] =	stream.linear.gather @!p5 [hbm4b:s26+s5], $0x800, $0x38;
	[tilespmem:$0x1E378] =	vst v63  }
0x6d: {  	s11 =	sadd.s32 @!p5 s11, s21;
	s24 =	ssub.s32 @!p5 $0x152F8, s16;
	s16 =	simm.s32 @p5 $0x800  }
0x6e: {  	[tilespmem:s24], [sflag:$0x5] =	stream.linear.gather @!p5 [hbm4b:s11+s5], $0x800, $0x38;
	[tilespmem:$0x1E378] =	vst v63  }
0x6f: {  	s11 =	sadd.s32 $0x13AF8, s16  }
0x70: {  	[tilespmem:s10], [sflag:$0x1] =	stream.indirect.gather [hbm4b:s0+s9], $0x80, s11, s9, $0xb8;
	[tilespmem:$0x1E378] =	vst v63  }
0x71: {  	s24 =	sadd.s32 $0x13B78, s16  }
0x72: {  	[tilespmem:s17], [sflag:$0x2] =	stream.indirect.gather [hbm4b:s0+s9], $0x80, s24, s9, $0xb8;
	[tilespmem:$0x1E378] =	vst v63  }
0x73: {  	_ =	swait.ge [sflag:s28], $0x3E80  }
0x74: {  	[sflag:s28] =	ssyncset.done $0x0  }
0x75: {  	s24 =	sadd.s32 $0x14AF8, s16;
	[sflag:s28] =	ssyncadd.s32 $0xFFFFC180  }
0x76: {  	[spmem:s3] =	stream.indirect.scatter.add.f32 [tilespmem:s10], [sflag:$0x3], $0x80, s24, s9, $0xb8;
	[tilespmem:$0x1E378] =	vst v63  }
0x77: {  	_ = 	snop  }
0x78: {  	[spmem:s4] =	stream.indirect.scatter.add.f32 [tilespmem:s18], [sflag:$0x3], $0x1, s24, s9, $0xb8;
	[tilespmem:$0x1E378] =	vst v63  }
0x79: {  	_ =	swait.ge [sflag:s29], $0x3E80  }
0x7a: {  	[sflag:s29] =	ssyncset.done $0x0  }
0x7b: {  	s26 =	sadd.s32 $0x14B78, s16;
	[sflag:s29] =	ssyncadd.s32 $0xFFFFC180  }
0x7c: {  	[spmem:s3] =	stream.indirect.scatter.add.f32 [tilespmem:s17], [sflag:$0x4], $0x80, s26, s9, $0xb8;
	[tilespmem:$0x1E378] =	vst v63  }
0x7d: {  	_ = 	snop  }
0x7e: {  	[spmem:s4] =	stream.indirect.scatter.add.f32 [tilespmem:s18], [sflag:$0x4], $0x1, s26, s9, $0xb8;
	[tilespmem:$0x1E378] =	vst v63  }
0x7f: {  	_ =	swait.ge [sflag:s19], $0x3E80  }
0x80: {  	[sflag:s19] =	ssyncset.done $0x0  }
0x81: {  	[sflag:s19] =	ssyncadd.s32 $0xFFFFC180  }
0x82: {  	_ =	swait.ge [sflag:s19], $0x7D  }
0x83: {  	[sflag:s19] =	ssyncset.done $0x0  }
0x84: {  	[sflag:s19] =	ssyncadd.s32 $0xFFFFFF83  }
0x85: {  	_ =	swait.ge [sflag:s20], $0x3E80  }
0x86: {  	[sflag:s20] =	ssyncset.done $0x0  }
0x87: {  	[sflag:s20] =	ssyncadd.s32 $0xFFFFC180  }
0x88: {  	_ =	swait.ge [sflag:s20], $0x7D  }
0x89: {  	s8 =	sadd.s32 $0xFFFFF900, s11;
	[sflag:s20] =	ssyncset.done $0x0  }
0x8a: {  	s26 =	sadd.s32 $0x800, s8;
	[sflag:s20] =	ssyncadd.s32 $0xFFFFFF83  }
0x8b: {  	[tilespmem:s10], [sflag:$0x1] =	stream.indirect.gather [hbm4b:s0+s9], $0x80, s26, s9, $0xb8;
	[tilespmem:$0x1E378] =	vst v63  }
0x8c: {  	s5 =	sadd.s32 $0x880, s8  }
0x8d: {  	[tilespmem:s17], [sflag:$0x2] =	stream.indirect.gather [hbm4b:s0+s9], $0x80, s5, s9, $0xb8;
	[tilespmem:$0x1E378] =	vst v63  }
0x8e: {  	_ =	swait.ge [sflag:s28], $0x3E80  }
0x8f: {  	s8 =	sadd.s32 $0xFFFFF900, s24;
	[sflag:s28] =	ssyncset.done $0x0  }
0x90: {  	s26 =	sadd.s32 $0x800, s8;
	[sflag:s28] =	ssyncadd.s32 $0xFFFFC180  }
0x91: {  	[spmem:s3] =	stream.indirect.scatter.add.f32 [tilespmem:s10], [sflag:$0x3], $0x80, s26, s9, $0xb8;
	[tilespmem:$0x1E378] =	vst v63  }
0x92: {  	_ = 	snop  }
0x93: {  	[spmem:s4] =	stream.indirect.scatter.add.f32 [tilespmem:s18], [sflag:$0x3], $0x1, s26, s9, $0xb8;
	[tilespmem:$0x1E378] =	vst v63  }
0x94: {  	_ =	swait.ge [sflag:s29], $0x3E80  }
0x95: {  	[sflag:s29] =	ssyncset.done $0x0  }
0x96: {  	s16 =	simm.s32 $0xFFFFE800;
	s26 =	sadd.s32 $0x880, s8;
	[sflag:s29] =	ssyncadd.s32 $0xFFFFC180  }
0x97: {  	[spmem:s3] =	stream.indirect.scatter.add.f32 [tilespmem:s17], [sflag:$0x4], $0x80, s26, s9, $0xb8;
	[tilespmem:$0x1E378] =	vst v63  }
.LBB2_9:
0x98: {  	[spmem:s4] =	stream.indirect.scatter.add.f32 [tilespmem:s18], [sflag:$0x4], $0x1, s26, s9, $0xb8;
	[tilespmem:$0x1E378] =	vst v63  }
0x99: {  	s5 =	smov.u32 s16  }
0x9a: {  	p5 =	sne.s32 s16, $0xFFFFFC00;
	s16 =	sadd.s32 $0x400, s16;
	_ =	swait.ge [sflag:s19], $0x3E80  }
0x9b: {  	[sflag:s19] =	ssyncset.done $0x0  }
0x9c: {  	[sflag:s19] =	ssyncadd.s32 $0xFFFFC180  }
0x9d: {  	_ =	swait.ge [sflag:s19], $0x7D  }
0x9e: {  	[sflag:s19] =	ssyncset.done $0x0  }
0x9f: {  	[sflag:s19] =	ssyncadd.s32 $0xFFFFFF83  }
0xa0: {  	_ =	swait.ge [sflag:s20], $0x3E80  }
0xa1: {  	[sflag:s20] =	ssyncset.done $0x0  }
0xa2: {  	[sflag:s20] =	ssyncadd.s32 $0xFFFFC180  }
0xa3: {  	s5 =	sshra.s32 s5, $0x2;
	_ =	swait.ge [sflag:s20], $0x7D  }
0xa4: {  	s26 =	sadd.s32 s5, s11;
	s5 =	sadd.s32 s5, s24;
	[sflag:s20] =	ssyncset.done $0x0  }
0xa5: {  	s8 =	sadd.s32 $0x800, s26;
	[sflag:s20] =	ssyncadd.s32 $0xFFFFFF83  }
0xa6: {  	[tilespmem:s10], [sflag:$0x1] =	stream.indirect.gather [hbm4b:s0+s9], $0x80, s8, s9, $0xb8;
	[tilespmem:$0x1E378] =	vst v63  }
0xa7: {  	s8 =	sadd.s32 $0x880, s26  }
0xa8: {  	[tilespmem:s17], [sflag:$0x2] =	stream.indirect.gather [hbm4b:s0+s9], $0x80, s8, s9, $0xb8;
	[tilespmem:$0x1E378] =	vst v63  }
0xa9: {  	_ =	swait.ge [sflag:s28], $0x3E80  }
0xaa: {  	[sflag:s28] =	ssyncset.done $0x0  }
0xab: {  	s8 =	sadd.s32 $0x800, s5;
	[sflag:s28] =	ssyncadd.s32 $0xFFFFC180  }
0xac: {  	[spmem:s3] =	stream.indirect.scatter.add.f32 [tilespmem:s10], [sflag:$0x3], $0x80, s8, s9, $0xb8;
	[tilespmem:$0x1E378] =	vst v63  }
0xad: {  	_ = 	snop  }
0xae: {  	[spmem:s4] =	stream.indirect.scatter.add.f32 [tilespmem:s18], [sflag:$0x3], $0x1, s8, s9, $0xb8;
	[tilespmem:$0x1E378] =	vst v63  }
.Ltmp7:
0xaf: {  	_ = 	snop;
	(pc) =	sbr.rel @p5 .LBB2_9-.Ltmp7, $4  }
0xb0: {  	_ =	swait.ge [sflag:s29], $0x3E80  }
0xb1: {  	[sflag:s29] =	ssyncset.done $0x0  }
0xb2: {  	s26 =	sadd.s32 $0x880, s5;
	[sflag:s29] =	ssyncadd.s32 $0xFFFFC180  }
0xb3: {  	[spmem:s3] =	stream.indirect.scatter.add.f32 [tilespmem:s17], [sflag:$0x4], $0x80, s26, s9, $0xb8;
	[tilespmem:$0x1E378] =	vst v63  }
0xb4: {  	s31 =	sadd.s32 $0x1, s31  }
0xb5: {  	p5 =	sne.s32 s31, $0xA  }
.Ltmp8:
0xb6: {  	_ = 	snop;
	(pc) =	sbr.rel @p5 .LBB2_8-.Ltmp8, $2  }
0xb7: {  	_ =	sdelay $0x2  }
0xb8: {  	[spmem:s4] =	stream.indirect.scatter.add.f32 [tilespmem:s18], [sflag:$0x4], $0x1, s26, s9, $0xb8;
	[tilespmem:$0x1E378] =	vst v63  }
0xb9: {  	_ =	swait.ge [sflag:s19], $0x3E80  }
0xba: {  	[sflag:s19] =	ssyncset.done $0x0  }
0xbb: {  	[sflag:s19] =	ssyncadd.s32 $0xFFFFC180  }
0xbc: {  	_ =	swait.ge [sflag:s19], $0x7D  }
0xbd: {  	[sflag:s19] =	ssyncset.done $0x0  }
0xbe: {  	[sflag:s19] =	ssyncadd.s32 $0xFFFFFF83  }
0xbf: {  	_ =	swait.ge [sflag:s20], $0x3E80  }
0xc0: {  	[sflag:s20] =	ssyncset.done $0x0  }
0xc1: {  	[sflag:s20] =	ssyncadd.s32 $0xFFFFC180  }
0xc2: {  	_ =	swait.ge [sflag:s20], $0x7D  }
0xc3: {  	[sflag:s20] =	ssyncset.done $0x0  }
0xc4: {  	[sflag:s20] =	ssyncadd.s32 $0xFFFFFF83  }
0xc5: {  	[bflag:$0x0] =	sbarrier.arrive $0xFFFF  }
0xc6: {  	s5 =	rddreg [dreg:$0x12]  }
0xc7: {  	[hbm:s5], [sflag:s25] =	dma.local [spmem:s23], $0x2700  }
0xc8: {  	_ =	swait.ge [sflag:s30], $0x2700  }
0xc9: {  	[sflag:s30] =	ssyncset.done $0x0  }
0xca: {  	s5 =	rddreg [dreg:$0x13];
	[sflag:s30] =	ssyncadd.s32 $0xFFFFD900  }
0xcb: {  	[hbm:s5], [sflag:s25] =	dma.local @p2 [spmem:s13], $0x100  }
.Ltmp9:
0xcc: {  	_ = 	snop;
	(pc) =	sbr.rel @p4 .LBB2_16-.Ltmp9, $4  }
.Ltmp10:
0xcd: {  	s5 =	simm.s32 @p2 $0x6;
	(pc) =	sbr.rel @!p4 .LBB2_17-.Ltmp10, $4  }
0xce: {  	_ =	swait.ge @p2 [sflag:s5], $0x100  }
0xcf: {  	[sflag:s5] =	ssyncset.done @p2 $0x0  }
0xd0: {  	s11 =	rddreg [dreg:$0x9];
	[sflag:s5] =	ssyncadd.s32 @p2 $0xFFFFFF00  }
0xd1: {  	_ = 	snop  }
.LBB2_12:
0xd2: {  	p5 =	seq.s32 s31, $0x0  }
0xd3: {  	s5 =	simm.s32 @!p5 $0x3  }
0xd4: {  	_ =	swait.ge @!p5 [sflag:s5], $0x3E80  }
0xd5: {  	[sflag:s5] =	ssyncset.done @!p5 $0x0  }
0xd6: {  	[sflag:s5] =	ssyncadd.s32 @!p5 $0xFFFFC180  }
0xd7: {  	_ =	swait.ge @!p5 [sflag:s5], $0x7D  }
0xd8: {  	[sflag:s5] =	ssyncset.done @!p5 $0x0  }
0xd9: {  	[sflag:s5] =	ssyncadd.s32 @!p5 $0xFFFFFF83;
	s5 =	simm.s32 @!p5 $0x4  }
0xda: {  	_ =	swait.ge @!p5 [sflag:s5], $0x3E80  }
0xdb: {  	[sflag:s5] =	ssyncset.done @!p5 $0x0  }
0xdc: {  	[sflag:s5] =	ssyncadd.s32 @!p5 $0xFFFFC180  }
0xdd: {  	_ =	swait.ge @!p5 [sflag:s5], $0x7D  }
0xde: {  	[sflag:s5] =	ssyncset.done @!p5 $0x0  }
0xdf: {  	[sflag:s5] =	ssyncadd.s32 @!p5 $0xFFFFFF83  }
0xe0: {  	_ =	swait.ge [sflag:s2], $0x800  }
0xe1: {  	p5 =	seq.s32 s31, $0x9;
	[sflag:s2] =	ssyncset.done $0x0  }
0xe2: {  	s5 =	sadd.s32 @!p5 s31, s14;
	[sflag:s2] =	ssyncadd.s32 $0xFFFFF800  }
0xe3: {  	s8 =	sshll.u32 @!p5 s31, $0xB;
	s24 =	simm.s32 @!p5 $0x0;
	_ =	swait.ge [sflag:s2], $0x800  }
0xe4: {  	s8 =	sand.u32 @!p5 $0x800, s8;
	s5 =	sshll.u32 @!p5 s5, $0x8;
	[sflag:s2] =	ssyncset.done $0x0  }
0xe5: {  	s11 =	ssub.s32 @!p5 $0x142F8, s8;
	s16 =	sadd.s32 @!p5 s7, s5;
	[sflag:s2] =	ssyncadd.s32 $0xFFFFF800  }
0xe6: {  	[tilespmem:s11], [sflag:$0x5] =	stream.linear.gather @!p5 [hbm4b:s16+s24], $0x800, $0x38;
	[tilespmem:$0x1E378] =	vst v63  }
0xe7: {  	s5 =	sadd.s32 @!p5 s5, s15;
	s11 =	ssub.s32 @!p5 $0x152F8, s8;
	s8 =	simm.s32 @p5 $0x800  }
0xe8: {  	[tilespmem:s11], [sflag:$0x5] =	stream.linear.gather @!p5 [hbm4b:s5+s24], $0x800, $0x38;
	[tilespmem:$0x1E378] =	vst v63  }
0xe9: {  	s11 =	sadd.s32 $0x13AF8, s8  }
0xea: {  	[tilespmem:s10], [sflag:$0x1] =	stream.indirect.gather [hbm4b:s1+s9], $0x80, s11, s9, $0xb8;
	[tilespmem:$0x1E378] =	vst v63  }
0xeb: {  	s26 =	sadd.s32 $0x13B78, s8  }
0xec: {  	[tilespmem:s17], [sflag:$0x2] =	stream.indirect.gather [hbm4b:s1+s9], $0x80, s26, s9, $0xb8;
	[tilespmem:$0x1E378] =	vst v63  }
0xed: {  	_ =	swait.ge [sflag:s28], $0x3E80  }
0xee: {  	[sflag:s28] =	ssyncset.done $0x0  }
0xef: {  	s24 =	sadd.s32 $0x14AF8, s8;
	[sflag:s28] =	ssyncadd.s32 $0xFFFFC180  }
0xf0: {  	[spmem:s3] =	stream.indirect.scatter.add.f32 [tilespmem:s10], [sflag:$0x3], $0x80, s24, s9, $0xb8;
	[tilespmem:$0x1E378] =	vst v63  }
0xf1: {  	_ = 	snop  }
0xf2: {  	[spmem:s4] =	stream.indirect.scatter.add.f32 [tilespmem:s18], [sflag:$0x3], $0x1, s24, s9, $0xb8;
	[tilespmem:$0x1E378] =	vst v63  }
0xf3: {  	_ =	swait.ge [sflag:s29], $0x3E80  }
0xf4: {  	[sflag:s29] =	ssyncset.done $0x0  }
0xf5: {  	s8 =	sadd.s32 $0x14B78, s8;
	[sflag:s29] =	ssyncadd.s32 $0xFFFFC180  }
0xf6: {  	[spmem:s3] =	stream.indirect.scatter.add.f32 [tilespmem:s17], [sflag:$0x4], $0x80, s8, s9, $0xb8;
	[tilespmem:$0x1E378] =	vst v63  }
0xf7: {  	_ = 	snop  }
0xf8: {  	[spmem:s4] =	stream.indirect.scatter.add.f32 [tilespmem:s18], [sflag:$0x4], $0x1, s8, s9, $0xb8;
	[tilespmem:$0x1E378] =	vst v63  }
0xf9: {  	_ =	swait.ge [sflag:s19], $0x3E80  }
0xfa: {  	[sflag:s19] =	ssyncset.done $0x0  }
0xfb: {  	[sflag:s19] =	ssyncadd.s32 $0xFFFFC180  }
0xfc: {  	_ =	swait.ge [sflag:s19], $0x7D  }
0xfd: {  	[sflag:s19] =	ssyncset.done $0x0  }
0xfe: {  	[sflag:s19] =	ssyncadd.s32 $0xFFFFFF83  }
0xff: {  	_ =	swait.ge [sflag:s20], $0x3E80  }
0x100: {  	[sflag:s20] =	ssyncset.done $0x0  }
0x101: {  	[sflag:s20] =	ssyncadd.s32 $0xFFFFC180  }
0x102: {  	_ =	swait.ge [sflag:s20], $0x7D  }
0x103: {  	s16 =	sadd.s32 $0xFFFFF900, s11;
	[sflag:s20] =	ssyncset.done $0x0  }
0x104: {  	s26 =	sadd.s32 $0x800, s16;
	[sflag:s20] =	ssyncadd.s32 $0xFFFFFF83  }
0x105: {  	[tilespmem:s10], [sflag:$0x1] =	stream.indirect.gather [hbm4b:s1+s9], $0x80, s26, s9, $0xb8;
	[tilespmem:$0x1E378] =	vst v63  }
0x106: {  	s5 =	sadd.s32 $0x880, s16  }
0x107: {  	[tilespmem:s17], [sflag:$0x2] =	stream.indirect.gather [hbm4b:s1+s9], $0x80, s5, s9, $0xb8;
	[tilespmem:$0x1E378] =	vst v63  }
0x108: {  	_ =	swait.ge [sflag:s28], $0x3E80  }
0x109: {  	s16 =	sadd.s32 $0xFFFFF900, s24;
	[sflag:s28] =	ssyncset.done $0x0  }
0x10a: {  	s26 =	sadd.s32 $0x800, s16;
	[sflag:s28] =	ssyncadd.s32 $0xFFFFC180  }
0x10b: {  	[spmem:s3] =	stream.indirect.scatter.add.f32 [tilespmem:s10], [sflag:$0x3], $0x80, s26, s9, $0xb8;
	[tilespmem:$0x1E378] =	vst v63  }
0x10c: {  	_ = 	snop  }
0x10d: {  	[spmem:s4] =	stream.indirect.scatter.add.f32 [tilespmem:s18], [sflag:$0x3], $0x1, s26, s9, $0xb8;
	[tilespmem:$0x1E378] =	vst v63  }
0x10e: {  	_ =	swait.ge [sflag:s29], $0x3E80  }
0x10f: {  	[sflag:s29] =	ssyncset.done $0x0  }
0x110: {  	s26 =	sadd.s32 $0x880, s16;
	s16 =	simm.s32 $0xFFFFE800;
	[sflag:s29] =	ssyncadd.s32 $0xFFFFC180  }
0x111: {  	[spmem:s3] =	stream.indirect.scatter.add.f32 [tilespmem:s17], [sflag:$0x4], $0x80, s26, s9, $0xb8;
	[tilespmem:$0x1E378] =	vst v63  }
.LBB2_13:
0x112: {  	[spmem:s4] =	stream.indirect.scatter.add.f32 [tilespmem:s18], [sflag:$0x4], $0x1, s26, s9, $0xb8;
	[tilespmem:$0x1E378] =	vst v63  }
0x113: {  	s5 =	smov.u32 s16  }
0x114: {  	p5 =	sne.s32 s16, $0xFFFFFC00;
	s16 =	sadd.s32 $0x400, s16;
	_ =	swait.ge [sflag:s19], $0x3E80  }
0x115: {  	[sflag:s19] =	ssyncset.done $0x0  }
0x116: {  	[sflag:s19] =	ssyncadd.s32 $0xFFFFC180  }
0x117: {  	_ =	swait.ge [sflag:s19], $0x7D  }
0x118: {  	[sflag:s19] =	ssyncset.done $0x0  }
0x119: {  	[sflag:s19] =	ssyncadd.s32 $0xFFFFFF83  }
0x11a: {  	_ =	swait.ge [sflag:s20], $0x3E80  }
0x11b: {  	[sflag:s20] =	ssyncset.done $0x0  }
0x11c: {  	[sflag:s20] =	ssyncadd.s32 $0xFFFFC180  }
0x11d: {  	s5 =	sshra.s32 s5, $0x2;
	_ =	swait.ge [sflag:s20], $0x7D  }
0x11e: {  	s8 =	sadd.s32 s5, s11;
	s5 =	sadd.s32 s5, s24;
	[sflag:s20] =	ssyncset.done $0x0  }
0x11f: {  	s26 =	sadd.s32 $0x800, s8;
	[sflag:s20] =	ssyncadd.s32 $0xFFFFFF83  }
0x120: {  	[tilespmem:s10], [sflag:$0x1] =	stream.indirect.gather [hbm4b:s1+s9], $0x80, s26, s9, $0xb8;
	[tilespmem:$0x1E378] =	vst v63  }
0x121: {  	s8 =	sadd.s32 $0x880, s8  }
0x122: {  	[tilespmem:s17], [sflag:$0x2] =	stream.indirect.gather [hbm4b:s1+s9], $0x80, s8, s9, $0xb8;
	[tilespmem:$0x1E378] =	vst v63  }
0x123: {  	_ =	swait.ge [sflag:s28], $0x3E80  }
0x124: {  	[sflag:s28] =	ssyncset.done $0x0  }
0x125: {  	s8 =	sadd.s32 $0x800, s5;
	[sflag:s28] =	ssyncadd.s32 $0xFFFFC180  }
0x126: {  	[spmem:s3] =	stream.indirect.scatter.add.f32 [tilespmem:s10], [sflag:$0x3], $0x80, s8, s9, $0xb8;
	[tilespmem:$0x1E378] =	vst v63  }
0x127: {  	_ = 	snop  }
0x128: {  	[spmem:s4] =	stream.indirect.scatter.add.f32 [tilespmem:s18], [sflag:$0x3], $0x1, s8, s9, $0xb8;
	[tilespmem:$0x1E378] =	vst v63  }
.Ltmp11:
0x129: {  	_ = 	snop;
	(pc) =	sbr.rel @p5 .LBB2_13-.Ltmp11, $4  }
0x12a: {  	_ =	swait.ge [sflag:s29], $0x3E80  }
0x12b: {  	[sflag:s29] =	ssyncset.done $0x0  }
0x12c: {  	s26 =	sadd.s32 $0x880, s5;
	[sflag:s29] =	ssyncadd.s32 $0xFFFFC180  }
0x12d: {  	[spmem:s3] =	stream.indirect.scatter.add.f32 [tilespmem:s17], [sflag:$0x4], $0x80, s26, s9, $0xb8;
	[tilespmem:$0x1E378] =	vst v63  }
0x12e: {  	s31 =	sadd.s32 $0x1, s31  }
0x12f: {  	p5 =	sne.s32 s31, $0xA  }
.Ltmp12:
0x130: {  	_ = 	snop;
	(pc) =	sbr.rel @p5 .LBB2_12-.Ltmp12, $2  }
0x131: {  	_ =	sdelay $0x2  }
0x132: {  	[spmem:s4] =	stream.indirect.scatter.add.f32 [tilespmem:s18], [sflag:$0x4], $0x1, s26, s9, $0xb8;
	[tilespmem:$0x1E378] =	vst v63  }
0x133: {  	_ =	swait.ge [sflag:s19], $0x3E80  }
0x134: {  	[sflag:s19] =	ssyncset.done $0x0  }
0x135: {  	[sflag:s19] =	ssyncadd.s32 $0xFFFFC180  }
0x136: {  	_ =	swait.ge [sflag:s19], $0x7D  }
0x137: {  	[sflag:s19] =	ssyncset.done $0x0  }
0x138: {  	[sflag:s19] =	ssyncadd.s32 $0xFFFFFF83  }
0x139: {  	_ =	swait.ge [sflag:s20], $0x3E80  }
0x13a: {  	[sflag:s20] =	ssyncset.done $0x0  }
0x13b: {  	[sflag:s20] =	ssyncadd.s32 $0xFFFFC180  }
0x13c: {  	_ =	swait.ge [sflag:s20], $0x7D  }
0x13d: {  	[sflag:s20] =	ssyncset.done $0x0  }
0x13e: {  	[sflag:s20] =	ssyncadd.s32 $0xFFFFFF83  }
0x13f: {  	[bflag:$0x0] =	sbarrier.arrive $0xFFFF  }
0x140: {  	s5 =	rddreg [dreg:$0xe]  }
0x141: {  	[hbm:s5], [sflag:s25] =	dma.local [spmem:s23], $0x2700  }
0x142: {  	_ =	swait.ge [sflag:s30], $0x2700  }
0x143: {  	[sflag:s30] =	ssyncset.done $0x0  }
0x144: {  	s5 =	rddreg [dreg:$0xf];
	[sflag:s30] =	ssyncadd.s32 $0xFFFFD900  }
0x145: {  	[hbm:s5], [sflag:s25] =	dma.local @p2 [spmem:s13], $0x100  }
.Ltmp13:
0x146: {  	_ = 	snop;
	(pc) =	sbr.rel @!p4 .LBB2_17-.Ltmp13, $4  }
.Ltmp14:
0x147: {  	s5 =	simm.s32 @p2 $0x6;
	(pc) =	sbr.rel @p4 .LBB2_16-.Ltmp14, $4  }
0x148: {  	_ =	swait.ge @p2 [sflag:s5], $0x100  }
0x149: {  	[sflag:s5] =	ssyncset.done @p2 $0x0  }
0x14a: {  	s11 =	rddreg [dreg:$0xa];
	[sflag:s5] =	ssyncadd.s32 @p2 $0xFFFFFF00  }
0x14b: {  	_ = 	snop  }
.LBB2_18:
0x14c: {  	_ =	sfence.sel $0x180000  }
0x14d: {  	[bflag:$0x0] =	sbarrier.arrive $0xFFFF  }
0x14e: {  	_ =	strace $0x90000047  }
0x14f: {  	[bflag:$0x2] =	sbarrier.arrive $0xFFFF  }
0x150: {  	s0 =	rddreg [dreg:$0x7]  }
0x151: {  	s0 =	sadd.s32 @!p0 $0x100000, s0  }
0x152: {  	[sflag:s0] =	ssyncadd.tile.s32 @!p0 $0x1;
	_ =	shalt  }
.Lfunc_end2:
_tile_overlayer_lowered:
.L_overlay_start_2:
0x153: {  	(tag) =	ssettag $0x2  }
0x154: {  	s0 =	rddreg [dreg:$0x0];
	s2 =	stileid.u32  }
0x155: {  	s1 =	rddreg [dreg:$0x1];
	p0 =	sne.s32 s2, $0x0  }
0x156: {  	s3 =	rddreg [dreg:$0x2];
	[bflag:$0x3] =	sbarrier.arrive $0xFFFF;
	s2 =	simm.s32 @!p0 $0x1C06  }
0x157: {  	[timem:s3], [sflag:s2] =	dma.local @!p0 [hbm:s0], s1  }
0x158: {  	s0 =	simm.s32 @!p0 $0x6  }
0x159: {  	_ =	swait.ge @!p0 [sflag:s0], s1  }
0x15a: {  	s1 =	ssub.s32 @!p0 $0x0, s1;
	[sflag:s0] =	ssyncset.done @!p0 $0x0  }
0x15b: {  	[sflag:s0] =	ssyncadd.s32 @!p0 s1  }
0x15c: {  	[bflag:$0x3] =	sbarrier.arrive $0xFFFF  }
0x15d: {  	_ =	shalt  }

</sc_bundles>
